<compile_context>
chip_gen: v7x
topology: tpu7x:2x2x1
jax: 0.10.2.dev20260603
libtpu: 0.0.44.dev20260713+nightly
codegen_flags: <defaults>
</compile_context>

<pallas_src>
import functools

import jax
import jax.numpy as jnp
from jax import lax
from jax.experimental import pallas as pl
from jax.experimental.pallas import tpu as pltpu
from jax.experimental.pallas import tpu_sc as plsc

D = 32
DP = 128
NC, NS = 2, 16
NW = NC * NS

GW = 128


def _combine_tables(wtT, mT, wuT):
    vocab = wtT.shape[1]
    blk = 16384

    def body(a_ref, m_ref, u_ref, o_ref):
        v = a_ref[...] * m_ref[...] + u_ref[...]
        o_ref[pl.ds(0, blk), pl.ds(0, D)] = jnp.transpose(v, (1, 0))

    in_spec = pl.BlockSpec((D, blk), lambda i: (0, i))
    return pl.pallas_call(
        body,
        grid=(pl.cdiv(vocab, blk),),
        in_specs=[in_spec, in_spec, in_spec],
        out_specs=pl.BlockSpec((blk, DP), lambda i: (i, 0)),
        out_shape=jax.ShapeDtypeStruct((vocab, DP), jnp.float32),
    )(wtT, mT, wuT)


def _make_gather(ntot):
    per_w = ntot // NW
    K = 1280
    steps = per_w // K
    KR = K // GW
    xr_per_w = per_w // GW

    mesh = plsc.VectorSubcoreMesh(core_axis_name="c", subcore_axis_name="s")

    @functools.partial(
        pl.kernel,
        mesh=mesh,
        compiler_params=pltpu.CompilerParams(use_tc_tiling_on_sc=False),
        out_type=jax.ShapeDtypeStruct((ntot, D), jnp.float32),
        scratch_types=[
            pltpu.VMEM((KR, GW), jnp.int32),
            pltpu.VMEM((KR, GW), jnp.int32),
            pltpu.VMEM((K, D), jnp.float32),
            pltpu.VMEM((K, D), jnp.float32),
            pltpu.SemaphoreType.DMA,
            pltpu.SemaphoreType.DMA,
            pltpu.SemaphoreType.DMA,
            pltpu.SemaphoreType.DMA,
        ],
    )
    def gk(x_hbm, v_hbm, out_hbm, i0, i1, b0, b1, g0, g1, w0, w1):
        wid = lax.axis_index("s") * NC + lax.axis_index("c")
        rbase = wid * per_w
        xbase = wid * xr_per_w
        slots = ((i0, b0, g0, w0), (i1, b1, g1, w1))

        @pl.loop(0, steps // 2)
        def _(p):
            for s, (ix, buf, gs, ws) in enumerate(slots):
                g = p * 2 + s

                @pl.when(p > 0)
                def _():
                    pltpu.make_async_copy(
                        buf, out_hbm.at[pl.ds(rbase, K)], ws).wait()

                pltpu.sync_copy(x_hbm.at[pl.ds(xbase + g * KR, KR)], ix)
                for j in range(KR):
                    pltpu.make_async_copy(
                        v_hbm.at[ix.at[j]],
                        buf.at[pl.ds(j * GW, GW)], gs).start()
                for j in range(KR):
                    pltpu.make_async_copy(
                        v_hbm.at[ix.at[j]],
                        buf.at[pl.ds(j * GW, GW)], gs).wait()
                pltpu.make_async_copy(
                    buf, out_hbm.at[pl.ds(rbase + g * K, K)], ws).start()

        for s, (ix, buf, gs, ws) in enumerate(slots):
            pltpu.make_async_copy(
                buf, out_hbm.at[pl.ds(rbase, K)], ws).wait()

    return gk


def _format_out(flat, b, hist):
    x2 = flat.reshape(b, hist * D)

    def body(i_ref, o_ref):
        t = jnp.transpose(i_ref[...], (1, 0))
        o_ref[...] = t.reshape(4, D, b)

    return pl.pallas_call(
        body,
        grid=(hist // 4,),
        in_specs=[pl.BlockSpec((b, 4 * D), lambda i: (0, i))],
        out_specs=pl.BlockSpec((4, D, b), lambda i: (i, 0, 0)),
        out_shape=jax.ShapeDtypeStruct((hist, D, b), jnp.float32),
    )(x2)


def kernel(x, Wt, Wu, M):
    b, h = x.shape
    ntot = b * h
    v = _combine_tables(Wt.T, M.T, Wu.T)
    v4 = v.reshape(4 * v.shape[0], D)
    x4 = x.reshape(ntot // GW, GW) * 4
    out = _make_gather(ntot)(x4, v4)
    out3 = _format_out(out, b, h)
    return jnp.transpose(out3, (2, 0, 1))

# --- scband reference (transcript-rebuilt; emitter-appended) ---
"""Pipeline reference for scband-hybrid-embedding-87900800680430 (READ-ONLY COPY).

The authoritative reference and input builder live on the scoring server;
editing this copy changes nothing except your own understanding.
"""

import jax, jax.numpy as jnp
import numpy as np

VOCAB = 1000000
EMBED_DIM = 32
BATCH = 4096
HIST_LEN = 200


def setup_inputs(seed: int = 0) -> dict:
    key = jax.random.key(seed)
    k_x, k_wt, k_wu, k_m = jax.random.split(key, 4)
    x = jax.random.randint(k_x, (BATCH, HIST_LEN), 0, VOCAB, dtype=jnp.int32)
    Wt = jax.random.normal(k_wt, (VOCAB, EMBED_DIM), dtype=jnp.float32)
    Wu = jax.random.normal(k_wu, (VOCAB, EMBED_DIM), dtype=jnp.float32)
    M = jax.random.uniform(k_m, (VOCAB, EMBED_DIM), dtype=jnp.float32)
    return {"x": x, "Wt": Wt, "Wu": Wu, "M": M}


def reference(x, Wt, Wu, M):
    # HybridEmbedding.call: gather all three tables by index, then
    # elementwise combine: trainable_emb * mask + fixed_emb
    _mask = jnp.take(M, x, axis=0)
    gwt = jnp.take(Wt, x, axis=0)
    gwu = jnp.take(Wu, x, axis=0)
    return gwt * _mask + gwu

if __name__ == "__main__":
    import jax
    _d = setup_inputs()
    print(jax.jit(kernel)(*tuple(_d.values())))

</pallas_src>

<mosaic_0001>
#map = affine_map<(d0, d1) -> (0, 0)>
module attributes {stable_mosaic.version = 14 : i64} {
  func.func @gk(%arg0: i32, %arg1: i32, %arg2: memref<6400x128xi32, #tpu.memory_space<hbm>>, %arg3: memref<4000000x32xf32, #tpu.memory_space<hbm>>, %arg4: memref<819200x32xf32, #tpu.memory_space<hbm>>, %arg5: memref<10x128xi32, #tpu.memory_space<vmem>>, %arg6: memref<10x128xi32, #tpu.memory_space<vmem>>, %arg7: memref<1280x32xf32, #tpu.memory_space<vmem>>, %arg8: memref<1280x32xf32, #tpu.memory_space<vmem>>, %arg9: memref<!tpu.dma_semaphore, #tpu.memory_space<semaphore_mem>>, %arg10: memref<!tpu.dma_semaphore, #tpu.memory_space<semaphore_mem>>, %arg11: memref<!tpu.dma_semaphore, #tpu.memory_space<semaphore_mem>>, %arg12: memref<!tpu.dma_semaphore, #tpu.memory_space<semaphore_mem>>) attributes {dimension_semantics = [#tpu.dimension_semantics<core_parallel>, #tpu.dimension_semantics<subcore_parallel>], iteration_bounds = array<i64: 2, 16>, scalar_prefetch = 0 : i64, scratch_operands = 8 : i64, tpu.core_type = #tpu.core_type<sc_vector_subcore>, window_params = [{transform_indices = #map}, {transform_indices = #map}, {transform_indices = #map}]} {
    %mul3A = arith.constant 2 : i32
    %mul3A_0 = arith.muli %arg1, %mul3A : i32
    %add3A = arith.addi %mul3A_0, %arg0 : i32
    %mul3A_1 = arith.constant 25600 : i32
    %mul3A_2 = arith.muli %add3A, %mul3A_1 : i32
    %mul3A_3 = arith.constant 200 : i32
    %mul3A_4 = arith.muli %add3A, %mul3A_3 : i32
    %scan3A = arith.constant 0 : i32
    %scan3A_5 = arith.constant 10 : i32
    %scan3A_6 = arith.addi %scan3A, %scan3A_5 : i32
    %scan3A_7 = arith.constant 1 : i32
    scf.for %scan3A_16 = %scan3A to %scan3A_6 step %scan3A_7  : i32 {
      %mul3A_17 = arith.constant 1 : i32
      %mul3A_18 = arith.muli %scan3A_16, %mul3A_17 : i32
      %add3A_19 = arith.constant 0 : i32
      %add3A_20 = arith.addi %add3A_19, %mul3A_18 : i32
      %mul3A_21 = arith.constant 2 : i32
      %mul3A_22 = arith.muli %add3A_20, %mul3A_21 : i32
      %add3A_23 = arith.constant 0 : i32
      %add3A_24 = arith.addi %mul3A_22, %add3A_23 : i32
      %gt3A = arith.constant 0 : i32
      %gt3A_25 = arith.cmpi sgt, %add3A_20, %gt3A : i32
      %convert_element_type3A = arith.extui %gt3A_25 : i1 to i32
      %cond3A = arith.constant 0 : i32
      %cond3A_26 = arith.cmpi ne, %convert_element_type3A, %cond3A : i32
      scf.if %cond3A_26 {
        %dma_wait3A_455 = arith.constant 0 : i32
        %dma_wait3A_456 = tpu.memref_slice %arg4[%mul3A_2, %dma_wait3A_455] : memref<819200x32xf32, #tpu.memory_space<hbm>> -> memref<1280x32xf32, #tpu.memory_space<hbm>>
        %dma_wait3A_457 = arith.constant 0 : i32
        %dma_wait3A_458 = tpu.memref_slice %arg4[%mul3A_2, %dma_wait3A_457] : memref<819200x32xf32, #tpu.memory_space<hbm>> -> memref<1280x32xf32, #tpu.memory_space<hbm>>
        tpu.wait_dma2 semaphore(%arg11 : memref<!tpu.dma_semaphore, #tpu.memory_space<semaphore_mem>>) src(%arg7 : memref<1280x32xf32, #tpu.memory_space<vmem>>) dst(%dma_wait3A_458 : memref<1280x32xf32, #tpu.memory_space<hbm>>)
      } else {
      }
      %mul3A_27 = arith.constant 10 : i32
      %mul3A_28 = arith.muli %add3A_24, %mul3A_27 : i32
      %add3A_29 = arith.addi %mul3A_4, %mul3A_28 : i32
      "tpu.region"() ({
        %run_scoped3A = tpu.sem_alloc : memref<!tpu.dma_semaphore, #tpu.memory_space<semaphore_mem>>
        %dma_start3A_455 = arith.constant 0 : i32
        %dma_start3A_456 = tpu.memref_slice %arg2[%add3A_29, %dma_start3A_455] : memref<6400x128xi32, #tpu.memory_space<hbm>> -> memref<10x128xi32, #tpu.memory_space<hbm>>
        %dma_start3A_457 = arith.constant 0 : i32
        %dma_start3A_458 = tpu.memref_slice %arg2[%add3A_29, %dma_start3A_457] : memref<6400x128xi32, #tpu.memory_space<hbm>> -> memref<10x128xi32, #tpu.memory_space<hbm>>
        tpu.enqueue_dma source(%dma_start3A_458 : memref<10x128xi32, #tpu.memory_space<hbm>>) target(%arg5 : memref<10x128xi32, #tpu.memory_space<vmem>>) target_semaphore(%run_scoped3A : memref<!tpu.dma_semaphore, #tpu.memory_space<semaphore_mem>>)
        %dma_wait3A_459 = arith.constant 0 : i32
        %dma_wait3A_460 = tpu.memref_slice %arg2[%add3A_29, %dma_wait3A_459] : memref<6400x128xi32, #tpu.memory_space<hbm>> -> memref<10x128xi32, #tpu.memory_space<hbm>>
        %dma_wait3A_461 = arith.constant 0 : i32
        %dma_wait3A_462 = tpu.memref_slice %arg2[%add3A_29, %dma_wait3A_461] : memref<6400x128xi32, #tpu.memory_space<hbm>> -> memref<10x128xi32, #tpu.memory_space<hbm>>
        tpu.wait_dma2 semaphore(%run_scoped3A : memref<!tpu.dma_semaphore, #tpu.memory_space<semaphore_mem>>) src(%dma_wait3A_462 : memref<10x128xi32, #tpu.memory_space<hbm>>) dst(%arg5 : memref<10x128xi32, #tpu.memory_space<vmem>>)
        tpu.yield
      }) : () -> ()
      %dma_start3A = arith.constant 0 : i32
      %dma_start3A_30 = arith.constant 0 : i32
      %dma_start3A_31 = arith.constant 0 : i32
      %dma_start3A_32 = tpu.memref_slice %arg7[%dma_start3A_30, %dma_start3A_31] : memref<1280x32xf32, #tpu.memory_space<vmem>> -> memref<128x32xf32, #tpu.memory_space<vmem>>
      %dma_start3A_33 = arith.constant 0 : i32
      %dma_start3A_34 = tpu.memref_slice %arg5[%dma_start3A, %dma_start3A_33] : memref<10x128xi32, #tpu.memory_space<vmem>> -> memref<1x128xi32, #tpu.memory_space<vmem>>
      %dma_start3A_35 = tpu.memref_squeeze %dma_start3A_34 : memref<1x128xi32, #tpu.memory_space<vmem>> -> memref<128xi32, #tpu.memory_space<vmem>>
      %dma_start3A_36 = arith.constant 0 : i32
      %dma_start3A_37 = arith.constant 0 : i32
      %dma_start3A_38 = tpu.memref_slice %arg3[%dma_start3A_36, %dma_start3A_37] : memref<4000000x32xf32, #tpu.memory_space<hbm>> -> memref<4000000x32xf32, #tpu.memory_space<hbm>>
      tpu.enqueue_indirect_dma source(%dma_start3A_38 : memref<4000000x32xf32, #tpu.memory_space<hbm>>) target(%dma_start3A_32 : memref<128x32xf32, #tpu.memory_space<vmem>>) offsets(%dma_start3A_35 : memref<128xi32, #tpu.memory_space<vmem>>) semaphore(%arg9 : memref<!tpu.dma_semaphore, #tpu.memory_space<semaphore_mem>>)
      %dma_start3A_39 = arith.constant 1 : i32
      %dma_start3A_40 = arith.constant 128 : i32
      %dma_start3A_41 = arith.constant 0 : i32
      %dma_start3A_42 = tpu.memref_slice %arg7[%dma_start3A_40, %dma_start3A_41] : memref<1280x32xf32, #tpu.memory_space<vmem>> -> memref<128x32xf32, #tpu.memory_space<vmem>>
      %dma_start3A_43 = arith.constant 0 : i32
      %dma_start3A_44 = tpu.memref_slice %arg5[%dma_start3A_39, %dma_start3A_43] : memref<10x128xi32, #tpu.memory_space<vmem>> -> memref<1x128xi32, #tpu.memory_space<vmem>>
      %dma_start3A_45 = tpu.memref_squeeze %dma_start3A_44 : memref<1x128xi32, #tpu.memory_space<vmem>> -> memref<128xi32, #tpu.memory_space<vmem>>
      %dma_start3A_46 = arith.constant 0 : i32
      %dma_start3A_47 = arith.constant 0 : i32
      %dma_start3A_48 = tpu.memref_slice %arg3[%dma_start3A_46, %dma_start3A_47] : memref<4000000x32xf32, #tpu.memory_space<hbm>> -> memref<4000000x32xf32, #tpu.memory_space<hbm>>
      tpu.enqueue_indirect_dma source(%dma_start3A_48 : memref<4000000x32xf32, #tpu.memory_space<hbm>>) target(%dma_start3A_42 : memref<128x32xf32, #tpu.memory_space<vmem>>) offsets(%dma_start3A_45 : memref<128xi32, #tpu.memory_space<vmem>>) semaphore(%arg9 : memref<!tpu.dma_semaphore, #tpu.memory_space<semaphore_mem>>)
      %dma_start3A_49 = arith.constant 2 : i32
      %dma_start3A_50 = arith.constant 256 : i32
      %dma_start3A_51 = arith.constant 0 : i32
      %dma_start3A_52 = tpu.memref_slice %arg7[%dma_start3A_50, %dma_start3A_51] : memref<1280x32xf32, #tpu.memory_space<vmem>> -> memref<128x32xf32, #tpu.memory_space<vmem>>
      %dma_start3A_53 = arith.constant 0 : i32
      %dma_start3A_54 = tpu.memref_slice %arg5[%dma_start3A_49, %dma_start3A_53] : memref<10x128xi32, #tpu.memory_space<vmem>> -> memref<1x128xi32, #tpu.memory_space<vmem>>
      %dma_start3A_55 = tpu.memref_squeeze %dma_start3A_54 : memref<1x128xi32, #tpu.memory_space<vmem>> -> memref<128xi32, #tpu.memory_space<vmem>>
      %dma_start3A_56 = arith.constant 0 : i32
      %dma_start3A_57 = arith.constant 0 : i32
      %dma_start3A_58 = tpu.memref_slice %arg3[%dma_start3A_56, %dma_start3A_57] : memref<4000000x32xf32, #tpu.memory_space<hbm>> -> memref<4000000x32xf32, #tpu.memory_space<hbm>>
      tpu.enqueue_indirect_dma source(%dma_start3A_58 : memref<4000000x32xf32, #tpu.memory_space<hbm>>) target(%dma_start3A_52 : memref<128x32xf32, #tpu.memory_space<vmem>>) offsets(%dma_start3A_55 : memref<128xi32, #tpu.memory_space<vmem>>) semaphore(%arg9 : memref<!tpu.dma_semaphore, #tpu.memory_space<semaphore_mem>>)
      %dma_start3A_59 = arith.constant 3 : i32
      %dma_start3A_60 = arith.constant 384 : i32
      %dma_start3A_61 = arith.constant 0 : i32
      %dma_start3A_62 = tpu.memref_slice %arg7[%dma_start3A_60, %dma_start3A_61] : memref<1280x32xf32, #tpu.memory_space<vmem>> -> memref<128x32xf32, #tpu.memory_space<vmem>>
      %dma_start3A_63 = arith.constant 0 : i32
      %dma_start3A_64 = tpu.memref_slice %arg5[%dma_start3A_59, %dma_start3A_63] : memref<10x128xi32, #tpu.memory_space<vmem>> -> memref<1x128xi32, #tpu.memory_space<vmem>>
      %dma_start3A_65 = tpu.memref_squeeze %dma_start3A_64 : memref<1x128xi32, #tpu.memory_space<vmem>> -> memref<128xi32, #tpu.memory_space<vmem>>
      %dma_start3A_66 = arith.constant 0 : i32
      %dma_start3A_67 = arith.constant 0 : i32
      %dma_start3A_68 = tpu.memref_slice %arg3[%dma_start3A_66, %dma_start3A_67] : memref<4000000x32xf32, #tpu.memory_space<hbm>> -> memref<4000000x32xf32, #tpu.memory_space<hbm>>
      tpu.enqueue_indirect_dma source(%dma_start3A_68 : memref<4000000x32xf32, #tpu.memory_space<hbm>>) target(%dma_start3A_62 : memref<128x32xf32, #tpu.memory_space<vmem>>) offsets(%dma_start3A_65 : memref<128xi32, #tpu.memory_space<vmem>>) semaphore(%arg9 : memref<!tpu.dma_semaphore, #tpu.memory_space<semaphore_mem>>)
      %dma_start3A_69 = arith.constant 4 : i32
      %dma_start3A_70 = arith.constant 512 : i32
      %dma_start3A_71 = arith.constant 0 : i32
      %dma_start3A_72 = tpu.memref_slice %arg7[%dma_start3A_70, %dma_start3A_71] : memref<1280x32xf32, #tpu.memory_space<vmem>> -> memref<128x32xf32, #tpu.memory_space<vmem>>
      %dma_start3A_73 = arith.constant 0 : i32
      %dma_start3A_74 = tpu.memref_slice %arg5[%dma_start3A_69, %dma_start3A_73] : memref<10x128xi32, #tpu.memory_space<vmem>> -> memref<1x128xi32, #tpu.memory_space<vmem>>
      %dma_start3A_75 = tpu.memref_squeeze %dma_start3A_74 : memref<1x128xi32, #tpu.memory_space<vmem>> -> memref<128xi32, #tpu.memory_space<vmem>>
      %dma_start3A_76 = arith.constant 0 : i32
      %dma_start3A_77 = arith.constant 0 : i32
      %dma_start3A_78 = tpu.memref_slice %arg3[%dma_start3A_76, %dma_start3A_77] : memref<4000000x32xf32, #tpu.memory_space<hbm>> -> memref<4000000x32xf32, #tpu.memory_space<hbm>>
      tpu.enqueue_indirect_dma source(%dma_start3A_78 : memref<4000000x32xf32, #tpu.memory_space<hbm>>) target(%dma_start3A_72 : memref<128x32xf32, #tpu.memory_space<vmem>>) offsets(%dma_start3A_75 : memref<128xi32, #tpu.memory_space<vmem>>) semaphore(%arg9 : memref<!tpu.dma_semaphore, #tpu.memory_space<semaphore_mem>>)
      %dma_start3A_79 = arith.constant 5 : i32
      %dma_start3A_80 = arith.constant 640 : i32
      %dma_start3A_81 = arith.constant 0 : i32
      %dma_start3A_82 = tpu.memref_slice %arg7[%dma_start3A_80, %dma_start3A_81] : memref<1280x32xf32, #tpu.memory_space<vmem>> -> memref<128x32xf32, #tpu.memory_space<vmem>>
      %dma_start3A_83 = arith.constant 0 : i32
      %dma_start3A_84 = tpu.memref_slice %arg5[%dma_start3A_79, %dma_start3A_83] : memref<10x128xi32, #tpu.memory_space<vmem>> -> memref<1x128xi32, #tpu.memory_space<vmem>>
      %dma_start3A_85 = tpu.memref_squeeze %dma_start3A_84 : memref<1x128xi32, #tpu.memory_space<vmem>> -> memref<128xi32, #tpu.memory_space<vmem>>
      %dma_start3A_86 = arith.constant 0 : i32
      %dma_start3A_87 = arith.constant 0 : i32
      %dma_start3A_88 = tpu.memref_slice %arg3[%dma_start3A_86, %dma_start3A_87] : memref<4000000x32xf32, #tpu.memory_space<hbm>> -> memref<4000000x32xf32, #tpu.memory_space<hbm>>
      tpu.enqueue_indirect_dma source(%dma_start3A_88 : memref<4000000x32xf32, #tpu.memory_space<hbm>>) target(%dma_start3A_82 : memref<128x32xf32, #tpu.memory_space<vmem>>) offsets(%dma_start3A_85 : memref<128xi32, #tpu.memory_space<vmem>>) semaphore(%arg9 : memref<!tpu.dma_semaphore, #tpu.memory_space<semaphore_mem>>)
      %dma_start3A_89 = arith.constant 6 : i32
      %dma_start3A_90 = arith.constant 768 : i32
      %dma_start3A_91 = arith.constant 0 : i32
      %dma_start3A_92 = tpu.memref_slice %arg7[%dma_start3A_90, %dma_start3A_91] : memref<1280x32xf32, #tpu.memory_space<vmem>> -> memref<128x32xf32, #tpu.memory_space<vmem>>
      %dma_start3A_93 = arith.constant 0 : i32
      %dma_start3A_94 = tpu.memref_slice %arg5[%dma_start3A_89, %dma_start3A_93] : memref<10x128xi32, #tpu.memory_space<vmem>> -> memref<1x128xi32, #tpu.memory_space<vmem>>
      %dma_start3A_95 = tpu.memref_squeeze %dma_start3A_94 : memref<1x128xi32, #tpu.memory_space<vmem>> -> memref<128xi32, #tpu.memory_space<vmem>>
      %dma_start3A_96 = arith.constant 0 : i32
      %dma_start3A_97 = arith.constant 0 : i32
      %dma_start3A_98 = tpu.memref_slice %arg3[%dma_start3A_96, %dma_start3A_97] : memref<4000000x32xf32, #tpu.memory_space<hbm>> -> memref<4000000x32xf32, #tpu.memory_space<hbm>>
      tpu.enqueue_indirect_dma source(%dma_start3A_98 : memref<4000000x32xf32, #tpu.memory_space<hbm>>) target(%dma_start3A_92 : memref<128x32xf32, #tpu.memory_space<vmem>>) offsets(%dma_start3A_95 : memref<128xi32, #tpu.memory_space<vmem>>) semaphore(%arg9 : memref<!tpu.dma_semaphore, #tpu.memory_space<semaphore_mem>>)
      %dma_start3A_99 = arith.constant 7 : i32
      %dma_start3A_100 = arith.constant 896 : i32
      %dma_start3A_101 = arith.constant 0 : i32
      %dma_start3A_102 = tpu.memref_slice %arg7[%dma_start3A_100, %dma_start3A_101] : memref<1280x32xf32, #tpu.memory_space<vmem>> -> memref<128x32xf32, #tpu.memory_space<vmem>>
      %dma_start3A_103 = arith.constant 0 : i32
      %dma_start3A_104 = tpu.memref_slice %arg5[%dma_start3A_99, %dma_start3A_103] : memref<10x128xi32, #tpu.memory_space<vmem>> -> memref<1x128xi32, #tpu.memory_space<vmem>>
      %dma_start3A_105 = tpu.memref_squeeze %dma_start3A_104 : memref<1x128xi32, #tpu.memory_space<vmem>> -> memref<128xi32, #tpu.memory_space<vmem>>
      %dma_start3A_106 = arith.constant 0 : i32
      %dma_start3A_107 = arith.constant 0 : i32
      %dma_start3A_108 = tpu.memref_slice %arg3[%dma_start3A_106, %dma_start3A_107] : memref<4000000x32xf32, #tpu.memory_space<hbm>> -> memref<4000000x32xf32, #tpu.memory_space<hbm>>
      tpu.enqueue_indirect_dma source(%dma_start3A_108 : memref<4000000x32xf32, #tpu.memory_space<hbm>>) target(%dma_start3A_102 : memref<128x32xf32, #tpu.memory_space<vmem>>) offsets(%dma_start3A_105 : memref<128xi32, #tpu.memory_space<vmem>>) semaphore(%arg9 : memref<!tpu.dma_semaphore, #tpu.memory_space<semaphore_mem>>)
      %dma_start3A_109 = arith.constant 8 : i32
      %dma_start3A_110 = arith.constant 1024 : i32
      %dma_start3A_111 = arith.constant 0 : i32
      %dma_start3A_112 = tpu.memref_slice %arg7[%dma_start3A_110, %dma_start3A_111] : memref<1280x32xf32, #tpu.memory_space<vmem>> -> memref<128x32xf32, #tpu.memory_space<vmem>>
      %dma_start3A_113 = arith.constant 0 : i32
      %dma_start3A_114 = tpu.memref_slice %arg5[%dma_start3A_109, %dma_start3A_113] : memref<10x128xi32, #tpu.memory_space<vmem>> -> memref<1x128xi32, #tpu.memory_space<vmem>>
      %dma_start3A_115 = tpu.memref_squeeze %dma_start3A_114 : memref<1x128xi32, #tpu.memory_space<vmem>> -> memref<128xi32, #tpu.memory_space<vmem>>
      %dma_start3A_116 = arith.constant 0 : i32
      %dma_start3A_117 = arith.constant 0 : i32
      %dma_start3A_118 = tpu.memref_slice %arg3[%dma_start3A_116, %dma_start3A_117] : memref<4000000x32xf32, #tpu.memory_space<hbm>> -> memref<4000000x32xf32, #tpu.memory_space<hbm>>
      tpu.enqueue_indirect_dma source(%dma_start3A_118 : memref<4000000x32xf32, #tpu.memory_space<hbm>>) target(%dma_start3A_112 : memref<128x32xf32, #tpu.memory_space<vmem>>) offsets(%dma_start3A_115 : memref<128xi32, #tpu.memory_space<vmem>>) semaphore(%arg9 : memref<!tpu.dma_semaphore, #tpu.memory_space<semaphore_mem>>)
      %dma_start3A_119 = arith.constant 9 : i32
      %dma_start3A_120 = arith.constant 1152 : i32
      %dma_start3A_121 = arith.constant 0 : i32
      %dma_start3A_122 = tpu.memref_slice %arg7[%dma_start3A_120, %dma_start3A_121] : memref<1280x32xf32, #tpu.memory_space<vmem>> -> memref<128x32xf32, #tpu.memory_space<vmem>>
      %dma_start3A_123 = arith.constant 0 : i32
      %dma_start3A_124 = tpu.memref_slice %arg5[%dma_start3A_119, %dma_start3A_123] : memref<10x128xi32, #tpu.memory_space<vmem>> -> memref<1x128xi32, #tpu.memory_space<vmem>>
      %dma_start3A_125 = tpu.memref_squeeze %dma_start3A_124 : memref<1x128xi32, #tpu.memory_space<vmem>> -> memref<128xi32, #tpu.memory_space<vmem>>
      %dma_start3A_126 = arith.constant 0 : i32
      %dma_start3A_127 = arith.constant 0 : i32
      %dma_start3A_128 = tpu.memref_slice %arg3[%dma_start3A_126, %dma_start3A_127] : memref<4000000x32xf32, #tpu.memory_space<hbm>> -> memref<4000000x32xf32, #tpu.memory_space<hbm>>
      tpu.enqueue_indirect_dma source(%dma_start3A_128 : memref<4000000x32xf32, #tpu.memory_space<hbm>>) target(%dma_start3A_122 : memref<128x32xf32, #tpu.memory_space<vmem>>) offsets(%dma_start3A_125 : memref<128xi32, #tpu.memory_space<vmem>>) semaphore(%arg9 : memref<!tpu.dma_semaphore, #tpu.memory_space<semaphore_mem>>)
      %dma_wait3A_129 = arith.constant 0 : i32
      %dma_wait3A_130 = arith.constant 0 : i32
      %dma_wait3A_131 = arith.constant 0 : i32
      %dma_wait3A_132 = tpu.memref_slice %arg7[%dma_wait3A_130, %dma_wait3A_131] : memref<1280x32xf32, #tpu.memory_space<vmem>> -> memref<128x32xf32, #tpu.memory_space<vmem>>
      %dma_wait3A_133 = arith.constant 0 : i32
      %dma_wait3A_134 = tpu.memref_slice %arg5[%dma_wait3A_129, %dma_wait3A_133] : memref<10x128xi32, #tpu.memory_space<vmem>> -> memref<1x128xi32, #tpu.memory_space<vmem>>
      %dma_wait3A_135 = tpu.memref_squeeze %dma_wait3A_134 : memref<1x128xi32, #tpu.memory_space<vmem>> -> memref<128xi32, #tpu.memory_space<vmem>>
      %dma_wait3A_136 = arith.constant 0 : i32
      %dma_wait3A_137 = arith.constant 0 : i32
      %dma_wait3A_138 = tpu.memref_slice %arg3[%dma_wait3A_136, %dma_wait3A_137] : memref<4000000x32xf32, #tpu.memory_space<hbm>> -> memref<4000000x32xf32, #tpu.memory_space<hbm>>
      tpu.wait_indirect_dma semaphore(%arg9 : memref<!tpu.dma_semaphore, #tpu.memory_space<semaphore_mem>>) src(%dma_wait3A_138 : memref<4000000x32xf32, #tpu.memory_space<hbm>>) dst(%dma_wait3A_132 : memref<128x32xf32, #tpu.memory_space<vmem>>)
      %dma_wait3A_139 = arith.constant 1 : i32
      %dma_wait3A_140 = arith.constant 128 : i32
      %dma_wait3A_141 = arith.constant 0 : i32
      %dma_wait3A_142 = tpu.memref_slice %arg7[%dma_wait3A_140, %dma_wait3A_141] : memref<1280x32xf32, #tpu.memory_space<vmem>> -> memref<128x32xf32, #tpu.memory_space<vmem>>
      %dma_wait3A_143 = arith.constant 0 : i32
      %dma_wait3A_144 = tpu.memref_slice %arg5[%dma_wait3A_139, %dma_wait3A_143] : memref<10x128xi32, #tpu.memory_space<vmem>> -> memref<1x128xi32, #tpu.memory_space<vmem>>
      %dma_wait3A_145 = tpu.memref_squeeze %dma_wait3A_144 : memref<1x128xi32, #tpu.memory_space<vmem>> -> memref<128xi32, #tpu.memory_space<vmem>>
      %dma_wait3A_146 = arith.constant 0 : i32
      %dma_wait3A_147 = arith.constant 0 : i32
      %dma_wait3A_148 = tpu.memref_slice %arg3[%dma_wait3A_146, %dma_wait3A_147] : memref<4000000x32xf32, #tpu.memory_space<hbm>> -> memref<4000000x32xf32, #tpu.memory_space<hbm>>
      tpu.wait_indirect_dma semaphore(%arg9 : memref<!tpu.dma_semaphore, #tpu.memory_space<semaphore_mem>>) src(%dma_wait3A_148 : memref<4000000x32xf32, #tpu.memory_space<hbm>>) dst(%dma_wait3A_142 : memref<128x32xf32, #tpu.memory_space<vmem>>)
      %dma_wait3A_149 = arith.constant 2 : i32
      %dma_wait3A_150 = arith.constant 256 : i32
      %dma_wait3A_151 = arith.constant 0 : i32
      %dma_wait3A_152 = tpu.memref_slice %arg7[%dma_wait3A_150, %dma_wait3A_151] : memref<1280x32xf32, #tpu.memory_space<vmem>> -> memref<128x32xf32, #tpu.memory_space<vmem>>
      %dma_wait3A_153 = arith.constant 0 : i32
      %dma_wait3A_154 = tpu.memref_slice %arg5[%dma_wait3A_149, %dma_wait3A_153] : memref<10x128xi32, #tpu.memory_space<vmem>> -> memref<1x128xi32, #tpu.memory_space<vmem>>
      %dma_wait3A_155 = tpu.memref_squeeze %dma_wait3A_154 : memref<1x128xi32, #tpu.memory_space<vmem>> -> memref<128xi32, #tpu.memory_space<vmem>>
      %dma_wait3A_156 = arith.constant 0 : i32
      %dma_wait3A_157 = arith.constant 0 : i32
      %dma_wait3A_158 = tpu.memref_slice %arg3[%dma_wait3A_156, %dma_wait3A_157] : memref<4000000x32xf32, #tpu.memory_space<hbm>> -> memref<4000000x32xf32, #tpu.memory_space<hbm>>
      tpu.wait_indirect_dma semaphore(%arg9 : memref<!tpu.dma_semaphore, #tpu.memory_space<semaphore_mem>>) src(%dma_wait3A_158 : memref<4000000x32xf32, #tpu.memory_space<hbm>>) dst(%dma_wait3A_152 : memref<128x32xf32, #tpu.memory_space<vmem>>)
      %dma_wait3A_159 = arith.constant 3 : i32
      %dma_wait3A_160 = arith.constant 384 : i32
      %dma_wait3A_161 = arith.constant 0 : i32
      %dma_wait3A_162 = tpu.memref_slice %arg7[%dma_wait3A_160, %dma_wait3A_161] : memref<1280x32xf32, #tpu.memory_space<vmem>> -> memref<128x32xf32, #tpu.memory_space<vmem>>
      %dma_wait3A_163 = arith.constant 0 : i32
      %dma_wait3A_164 = tpu.memref_slice %arg5[%dma_wait3A_159, %dma_wait3A_163] : memref<10x128xi32, #tpu.memory_space<vmem>> -> memref<1x128xi32, #tpu.memory_space<vmem>>
      %dma_wait3A_165 = tpu.memref_squeeze %dma_wait3A_164 : memref<1x128xi32, #tpu.memory_space<vmem>> -> memref<128xi32, #tpu.memory_space<vmem>>
      %dma_wait3A_166 = arith.constant 0 : i32
      %dma_wait3A_167 = arith.constant 0 : i32
      %dma_wait3A_168 = tpu.memref_slice %arg3[%dma_wait3A_166, %dma_wait3A_167] : memref<4000000x32xf32, #tpu.memory_space<hbm>> -> memref<4000000x32xf32, #tpu.memory_space<hbm>>
      tpu.wait_indirect_dma semaphore(%arg9 : memref<!tpu.dma_semaphore, #tpu.memory_space<semaphore_mem>>) src(%dma_wait3A_168 : memref<4000000x32xf32, #tpu.memory_space<hbm>>) dst(%dma_wait3A_162 : memref<128x32xf32, #tpu.memory_space<vmem>>)
      %dma_wait3A_169 = arith.constant 4 : i32
      %dma_wait3A_170 = arith.constant 512 : i32
      %dma_wait3A_171 = arith.constant 0 : i32
      %dma_wait3A_172 = tpu.memref_slice %arg7[%dma_wait3A_170, %dma_wait3A_171] : memref<1280x32xf32, #tpu.memory_space<vmem>> -> memref<128x32xf32, #tpu.memory_space<vmem>>
      %dma_wait3A_173 = arith.constant 0 : i32
      %dma_wait3A_174 = tpu.memref_slice %arg5[%dma_wait3A_169, %dma_wait3A_173] : memref<10x128xi32, #tpu.memory_space<vmem>> -> memref<1x128xi32, #tpu.memory_space<vmem>>
      %dma_wait3A_175 = tpu.memref_squeeze %dma_wait3A_174 : memref<1x128xi32, #tpu.memory_space<vmem>> -> memref<128xi32, #tpu.memory_space<vmem>>
      %dma_wait3A_176 = arith.constant 0 : i32
      %dma_wait3A_177 = arith.constant 0 : i32
      %dma_wait3A_178 = tpu.memref_slice %arg3[%dma_wait3A_176, %dma_wait3A_177] : memref<4000000x32xf32, #tpu.memory_space<hbm>> -> memref<4000000x32xf32, #tpu.memory_space<hbm>>
      tpu.wait_indirect_dma semaphore(%arg9 : memref<!tpu.dma_semaphore, #tpu.memory_space<semaphore_mem>>) src(%dma_wait3A_178 : memref<4000000x32xf32, #tpu.memory_space<hbm>>) dst(%dma_wait3A_172 : memref<128x32xf32, #tpu.memory_space<vmem>>)
      %dma_wait3A_179 = arith.constant 5 : i32
      %dma_wait3A_180 = arith.constant 640 : i32
      %dma_wait3A_181 = arith.constant 0 : i32
      %dma_wait3A_182 = tpu.memref_slice %arg7[%dma_wait3A_180, %dma_wait3A_181] : memref<1280x32xf32, #tpu.memory_space<vmem>> -> memref<128x32xf32, #tpu.memory_space<vmem>>
      %dma_wait3A_183 = arith.constant 0 : i32
      %dma_wait3A_184 = tpu.memref_slice %arg5[%dma_wait3A_179, %dma_wait3A_183] : memref<10x128xi32, #tpu.memory_space<vmem>> -> memref<1x128xi32, #tpu.memory_space<vmem>>
      %dma_wait3A_185 = tpu.memref_squeeze %dma_wait3A_184 : memref<1x128xi32, #tpu.memory_space<vmem>> -> memref<128xi32, #tpu.memory_space<vmem>>
      %dma_wait3A_186 = arith.constant 0 : i32
      %dma_wait3A_187 = arith.constant 0 : i32
      %dma_wait3A_188 = tpu.memref_slice %arg3[%dma_wait3A_186, %dma_wait3A_187] : memref<4000000x32xf32, #tpu.memory_space<hbm>> -> memref<4000000x32xf32, #tpu.memory_space<hbm>>
      tpu.wait_indirect_dma semaphore(%arg9 : memref<!tpu.dma_semaphore, #tpu.memory_space<semaphore_mem>>) src(%dma_wait3A_188 : memref<4000000x32xf32, #tpu.memory_space<hbm>>) dst(%dma_wait3A_182 : memref<128x32xf32, #tpu.memory_space<vmem>>)
      %dma_wait3A_189 = arith.constant 6 : i32
      %dma_wait3A_190 = arith.constant 768 : i32
      %dma_wait3A_191 = arith.constant 0 : i32
      %dma_wait3A_192 = tpu.memref_slice %arg7[%dma_wait3A_190, %dma_wait3A_191] : memref<1280x32xf32, #tpu.memory_space<vmem>> -> memref<128x32xf32, #tpu.memory_space<vmem>>
      %dma_wait3A_193 = arith.constant 0 : i32
      %dma_wait3A_194 = tpu.memref_slice %arg5[%dma_wait3A_189, %dma_wait3A_193] : memref<10x128xi32, #tpu.memory_space<vmem>> -> memref<1x128xi32, #tpu.memory_space<vmem>>
      %dma_wait3A_195 = tpu.memref_squeeze %dma_wait3A_194 : memref<1x128xi32, #tpu.memory_space<vmem>> -> memref<128xi32, #tpu.memory_space<vmem>>
      %dma_wait3A_196 = arith.constant 0 : i32
      %dma_wait3A_197 = arith.constant 0 : i32
      %dma_wait3A_198 = tpu.memref_slice %arg3[%dma_wait3A_196, %dma_wait3A_197] : memref<4000000x32xf32, #tpu.memory_space<hbm>> -> memref<4000000x32xf32, #tpu.memory_space<hbm>>
      tpu.wait_indirect_dma semaphore(%arg9 : memref<!tpu.dma_semaphore, #tpu.memory_space<semaphore_mem>>) src(%dma_wait3A_198 : memref<4000000x32xf32, #tpu.memory_space<hbm>>) dst(%dma_wait3A_192 : memref<128x32xf32, #tpu.memory_space<vmem>>)
      %dma_wait3A_199 = arith.constant 7 : i32
      %dma_wait3A_200 = arith.constant 896 : i32
      %dma_wait3A_201 = arith.constant 0 : i32
      %dma_wait3A_202 = tpu.memref_slice %arg7[%dma_wait3A_200, %dma_wait3A_201] : memref<1280x32xf32, #tpu.memory_space<vmem>> -> memref<128x32xf32, #tpu.memory_space<vmem>>
      %dma_wait3A_203 = arith.constant 0 : i32
      %dma_wait3A_204 = tpu.memref_slice %arg5[%dma_wait3A_199, %dma_wait3A_203] : memref<10x128xi32, #tpu.memory_space<vmem>> -> memref<1x128xi32, #tpu.memory_space<vmem>>
      %dma_wait3A_205 = tpu.memref_squeeze %dma_wait3A_204 : memref<1x128xi32, #tpu.memory_space<vmem>> -> memref<128xi32, #tpu.memory_space<vmem>>
      %dma_wait3A_206 = arith.constant 0 : i32
      %dma_wait3A_207 = arith.constant 0 : i32
      %dma_wait3A_208 = tpu.memref_slice %arg3[%dma_wait3A_206, %dma_wait3A_207] : memref<4000000x32xf32, #tpu.memory_space<hbm>> -> memref<4000000x32xf32, #tpu.memory_space<hbm>>
      tpu.wait_indirect_dma semaphore(%arg9 : memref<!tpu.dma_semaphore, #tpu.memory_space<semaphore_mem>>) src(%dma_wait3A_208 : memref<4000000x32xf32, #tpu.memory_space<hbm>>) dst(%dma_wait3A_202 : memref<128x32xf32, #tpu.memory_space<vmem>>)
      %dma_wait3A_209 = arith.constant 8 : i32
      %dma_wait3A_210 = arith.constant 1024 : i32
      %dma_wait3A_211 = arith.constant 0 : i32
      %dma_wait3A_212 = tpu.memref_slice %arg7[%dma_wait3A_210, %dma_wait3A_211] : memref<1280x32xf32, #tpu.memory_space<vmem>> -> memref<128x32xf32, #tpu.memory_space<vmem>>
      %dma_wait3A_213 = arith.constant 0 : i32
      %dma_wait3A_214 = tpu.memref_slice %arg5[%dma_wait3A_209, %dma_wait3A_213] : memref<10x128xi32, #tpu.memory_space<vmem>> -> memref<1x128xi32, #tpu.memory_space<vmem>>
      %dma_wait3A_215 = tpu.memref_squeeze %dma_wait3A_214 : memref<1x128xi32, #tpu.memory_space<vmem>> -> memref<128xi32, #tpu.memory_space<vmem>>
      %dma_wait3A_216 = arith.constant 0 : i32
      %dma_wait3A_217 = arith.constant 0 : i32
      %dma_wait3A_218 = tpu.memref_slice %arg3[%dma_wait3A_216, %dma_wait3A_217] : memref<4000000x32xf32, #tpu.memory_space<hbm>> -> memref<4000000x32xf32, #tpu.memory_space<hbm>>
      tpu.wait_indirect_dma semaphore(%arg9 : memref<!tpu.dma_semaphore, #tpu.memory_space<semaphore_mem>>) src(%dma_wait3A_218 : memref<4000000x32xf32, #tpu.memory_space<hbm>>) dst(%dma_wait3A_212 : memref<128x32xf32, #tpu.memory_space<vmem>>)
      %dma_wait3A_219 = arith.constant 9 : i32
      %dma_wait3A_220 = arith.constant 1152 : i32
      %dma_wait3A_221 = arith.constant 0 : i32
      %dma_wait3A_222 = tpu.memref_slice %arg7[%dma_wait3A_220, %dma_wait3A_221] : memref<1280x32xf32, #tpu.memory_space<vmem>> -> memref<128x32xf32, #tpu.memory_space<vmem>>
      %dma_wait3A_223 = arith.constant 0 : i32
      %dma_wait3A_224 = tpu.memref_slice %arg5[%dma_wait3A_219, %dma_wait3A_223] : memref<10x128xi32, #tpu.memory_space<vmem>> -> memref<1x128xi32, #tpu.memory_space<vmem>>
      %dma_wait3A_225 = tpu.memref_squeeze %dma_wait3A_224 : memref<1x128xi32, #tpu.memory_space<vmem>> -> memref<128xi32, #tpu.memory_space<vmem>>
      %dma_wait3A_226 = arith.constant 0 : i32
      %dma_wait3A_227 = arith.constant 0 : i32
      %dma_wait3A_228 = tpu.memref_slice %arg3[%dma_wait3A_226, %dma_wait3A_227] : memref<4000000x32xf32, #tpu.memory_space<hbm>> -> memref<4000000x32xf32, #tpu.memory_space<hbm>>
      tpu.wait_indirect_dma semaphore(%arg9 : memref<!tpu.dma_semaphore, #tpu.memory_space<semaphore_mem>>) src(%dma_wait3A_228 : memref<4000000x32xf32, #tpu.memory_space<hbm>>) dst(%dma_wait3A_222 : memref<128x32xf32, #tpu.memory_space<vmem>>)
      %mul3A_229 = arith.constant 1280 : i32
      %mul3A_230 = arith.muli %add3A_24, %mul3A_229 : i32
      %add3A_231 = arith.addi %mul3A_2, %mul3A_230 : i32
      %dma_start3A_232 = arith.constant 0 : i32
      %dma_start3A_233 = tpu.memref_slice %arg4[%add3A_231, %dma_start3A_232] : memref<819200x32xf32, #tpu.memory_space<hbm>> -> memref<1280x32xf32, #tpu.memory_space<hbm>>
      %dma_start3A_234 = arith.constant 0 : i32
      %dma_start3A_235 = tpu.memref_slice %arg4[%add3A_231, %dma_start3A_234] : memref<819200x32xf32, #tpu.memory_space<hbm>> -> memref<1280x32xf32, #tpu.memory_space<hbm>>
      tpu.enqueue_dma source(%arg7 : memref<1280x32xf32, #tpu.memory_space<vmem>>) target(%dma_start3A_235 : memref<1280x32xf32, #tpu.memory_space<hbm>>) target_semaphore(%arg11 : memref<!tpu.dma_semaphore, #tpu.memory_space<semaphore_mem>>)
      %mul3A_236 = arith.constant 2 : i32
      %mul3A_237 = arith.muli %add3A_20, %mul3A_236 : i32
      %add3A_238 = arith.constant 1 : i32
      %add3A_239 = arith.addi %mul3A_237, %add3A_238 : i32
      %gt3A_240 = arith.constant 0 : i32
      %gt3A_241 = arith.cmpi sgt, %add3A_20, %gt3A_240 : i32
      %convert_element_type3A_242 = arith.extui %gt3A_241 : i1 to i32
      %cond3A_243 = arith.constant 0 : i32
      %cond3A_244 = arith.cmpi ne, %convert_element_type3A_242, %cond3A_243 : i32
      scf.if %cond3A_244 {
        %dma_wait3A_455 = arith.constant 0 : i32
        %dma_wait3A_456 = tpu.memref_slice %arg4[%mul3A_2, %dma_wait3A_455] : memref<819200x32xf32, #tpu.memory_space<hbm>> -> memref<1280x32xf32, #tpu.memory_space<hbm>>
        %dma_wait3A_457 = arith.constant 0 : i32
        %dma_wait3A_458 = tpu.memref_slice %arg4[%mul3A_2, %dma_wait3A_457] : memref<819200x32xf32, #tpu.memory_space<hbm>> -> memref<1280x32xf32, #tpu.memory_space<hbm>>
        tpu.wait_dma2 semaphore(%arg12 : memref<!tpu.dma_semaphore, #tpu.memory_space<semaphore_mem>>) src(%arg8 : memref<1280x32xf32, #tpu.memory_space<vmem>>) dst(%dma_wait3A_458 : memref<1280x32xf32, #tpu.memory_space<hbm>>)
      } else {
      }
      %mul3A_245 = arith.constant 10 : i32
      %mul3A_246 = arith.muli %add3A_239, %mul3A_245 : i32
      %add3A_247 = arith.addi %mul3A_4, %mul3A_246 : i32
      "tpu.region"() ({
        %run_scoped3A = tpu.sem_alloc : memref<!tpu.dma_semaphore, #tpu.memory_space<semaphore_mem>>
        %dma_start3A_455 = arith.constant 0 : i32
        %dma_start3A_456 = tpu.memref_slice %arg2[%add3A_247, %dma_start3A_455] : memref<6400x128xi32, #tpu.memory_space<hbm>> -> memref<10x128xi32, #tpu.memory_space<hbm>>
        %dma_start3A_457 = arith.constant 0 : i32
        %dma_start3A_458 = tpu.memref_slice %arg2[%add3A_247, %dma_start3A_457] : memref<6400x128xi32, #tpu.memory_space<hbm>> -> memref<10x128xi32, #tpu.memory_space<hbm>>
        tpu.enqueue_dma source(%dma_start3A_458 : memref<10x128xi32, #tpu.memory_space<hbm>>) target(%arg6 : memref<10x128xi32, #tpu.memory_space<vmem>>) target_semaphore(%run_scoped3A : memref<!tpu.dma_semaphore, #tpu.memory_space<semaphore_mem>>)
        %dma_wait3A_459 = arith.constant 0 : i32
        %dma_wait3A_460 = tpu.memref_slice %arg2[%add3A_247, %dma_wait3A_459] : memref<6400x128xi32, #tpu.memory_space<hbm>> -> memref<10x128xi32, #tpu.memory_space<hbm>>
        %dma_wait3A_461 = arith.constant 0 : i32
        %dma_wait3A_462 = tpu.memref_slice %arg2[%add3A_247, %dma_wait3A_461] : memref<6400x128xi32, #tpu.memory_space<hbm>> -> memref<10x128xi32, #tpu.memory_space<hbm>>
        tpu.wait_dma2 semaphore(%run_scoped3A : memref<!tpu.dma_semaphore, #tpu.memory_space<semaphore_mem>>) src(%dma_wait3A_462 : memref<10x128xi32, #tpu.memory_space<hbm>>) dst(%arg6 : memref<10x128xi32, #tpu.memory_space<vmem>>)
        tpu.yield
      }) : () -> ()
      %dma_start3A_248 = arith.constant 0 : i32
      %dma_start3A_249 = arith.constant 0 : i32
      %dma_start3A_250 = arith.constant 0 : i32
      %dma_start3A_251 = tpu.memref_slice %arg8[%dma_start3A_249, %dma_start3A_250] : memref<1280x32xf32, #tpu.memory_space<vmem>> -> memref<128x32xf32, #tpu.memory_space<vmem>>
      %dma_start3A_252 = arith.constant 0 : i32
      %dma_start3A_253 = tpu.memref_slice %arg6[%dma_start3A_248, %dma_start3A_252] : memref<10x128xi32, #tpu.memory_space<vmem>> -> memref<1x128xi32, #tpu.memory_space<vmem>>
      %dma_start3A_254 = tpu.memref_squeeze %dma_start3A_253 : memref<1x128xi32, #tpu.memory_space<vmem>> -> memref<128xi32, #tpu.memory_space<vmem>>
      %dma_start3A_255 = arith.constant 0 : i32
      %dma_start3A_256 = arith.constant 0 : i32
      %dma_start3A_257 = tpu.memref_slice %arg3[%dma_start3A_255, %dma_start3A_256] : memref<4000000x32xf32, #tpu.memory_space<hbm>> -> memref<4000000x32xf32, #tpu.memory_space<hbm>>
      tpu.enqueue_indirect_dma source(%dma_start3A_257 : memref<4000000x32xf32, #tpu.memory_space<hbm>>) target(%dma_start3A_251 : memref<128x32xf32, #tpu.memory_space<vmem>>) offsets(%dma_start3A_254 : memref<128xi32, #tpu.memory_space<vmem>>) semaphore(%arg10 : memref<!tpu.dma_semaphore, #tpu.memory_space<semaphore_mem>>)
      %dma_start3A_258 = arith.constant 1 : i32
      %dma_start3A_259 = arith.constant 128 : i32
      %dma_start3A_260 = arith.constant 0 : i32
      %dma_start3A_261 = tpu.memref_slice %arg8[%dma_start3A_259, %dma_start3A_260] : memref<1280x32xf32, #tpu.memory_space<vmem>> -> memref<128x32xf32, #tpu.memory_space<vmem>>
      %dma_start3A_262 = arith.constant 0 : i32
      %dma_start3A_263 = tpu.memref_slice %arg6[%dma_start3A_258, %dma_start3A_262] : memref<10x128xi32, #tpu.memory_space<vmem>> -> memref<1x128xi32, #tpu.memory_space<vmem>>
      %dma_start3A_264 = tpu.memref_squeeze %dma_start3A_263 : memref<1x128xi32, #tpu.memory_space<vmem>> -> memref<128xi32, #tpu.memory_space<vmem>>
      %dma_start3A_265 = arith.constant 0 : i32
      %dma_start3A_266 = arith.constant 0 : i32
      %dma_start3A_267 = tpu.memref_slice %arg3[%dma_start3A_265, %dma_start3A_266] : memref<4000000x32xf32, #tpu.memory_space<hbm>> -> memref<4000000x32xf32, #tpu.memory_space<hbm>>
      tpu.enqueue_indirect_dma source(%dma_start3A_267 : memref<4000000x32xf32, #tpu.memory_space<hbm>>) target(%dma_start3A_261 : memref<128x32xf32, #tpu.memory_space<vmem>>) offsets(%dma_start3A_264 : memref<128xi32, #tpu.memory_space<vmem>>) semaphore(%arg10 : memref<!tpu.dma_semaphore, #tpu.memory_space<semaphore_mem>>)
      %dma_start3A_268 = arith.constant 2 : i32
      %dma_start3A_269 = arith.constant 256 : i32
      %dma_start3A_270 = arith.constant 0 : i32
      %dma_start3A_271 = tpu.memref_slice %arg8[%dma_start3A_269, %dma_start3A_270] : memref<1280x32xf32, #tpu.memory_space<vmem>> -> memref<128x32xf32, #tpu.memory_space<vmem>>
      %dma_start3A_272 = arith.constant 0 : i32
      %dma_start3A_273 = tpu.memref_slice %arg6[%dma_start3A_268, %dma_start3A_272] : memref<10x128xi32, #tpu.memory_space<vmem>> -> memref<1x128xi32, #tpu.memory_space<vmem>>
      %dma_start3A_274 = tpu.memref_squeeze %dma_start3A_273 : memref<1x128xi32, #tpu.memory_space<vmem>> -> memref<128xi32, #tpu.memory_space<vmem>>
      %dma_start3A_275 = arith.constant 0 : i32
      %dma_start3A_276 = arith.constant 0 : i32
      %dma_start3A_277 = tpu.memref_slice %arg3[%dma_start3A_275, %dma_start3A_276] : memref<4000000x32xf32, #tpu.memory_space<hbm>> -> memref<4000000x32xf32, #tpu.memory_space<hbm>>
      tpu.enqueue_indirect_dma source(%dma_start3A_277 : memref<4000000x32xf32, #tpu.memory_space<hbm>>) target(%dma_start3A_271 : memref<128x32xf32, #tpu.memory_space<vmem>>) offsets(%dma_start3A_274 : memref<128xi32, #tpu.memory_space<vmem>>) semaphore(%arg10 : memref<!tpu.dma_semaphore, #tpu.memory_space<semaphore_mem>>)
      %dma_start3A_278 = arith.constant 3 : i32
      %dma_start3A_279 = arith.constant 384 : i32
      %dma_start3A_280 = arith.constant 0 : i32
      %dma_start3A_281 = tpu.memref_slice %arg8[%dma_start3A_279, %dma_start3A_280] : memref<1280x32xf32, #tpu.memory_space<vmem>> -> memref<128x32xf32, #tpu.memory_space<vmem>>
      %dma_start3A_282 = arith.constant 0 : i32
      %dma_start3A_283 = tpu.memref_slice %arg6[%dma_start3A_278, %dma_start3A_282] : memref<10x128xi32, #tpu.memory_space<vmem>> -> memref<1x128xi32, #tpu.memory_space<vmem>>
      %dma_start3A_284 = tpu.memref_squeeze %dma_start3A_283 : memref<1x128xi32, #tpu.memory_space<vmem>> -> memref<128xi32, #tpu.memory_space<vmem>>
      %dma_start3A_285 = arith.constant 0 : i32
      %dma_start3A_286 = arith.constant 0 : i32
      %dma_start3A_287 = tpu.memref_slice %arg3[%dma_start3A_285, %dma_start3A_286] : memref<4000000x32xf32, #tpu.memory_space<hbm>> -> memref<4000000x32xf32, #tpu.memory_space<hbm>>
      tpu.enqueue_indirect_dma source(%dma_start3A_287 : memref<4000000x32xf32, #tpu.memory_space<hbm>>) target(%dma_start3A_281 : memref<128x32xf32, #tpu.memory_space<vmem>>) offsets(%dma_start3A_284 : memref<128xi32, #tpu.memory_space<vmem>>) semaphore(%arg10 : memref<!tpu.dma_semaphore, #tpu.memory_space<semaphore_mem>>)
      %dma_start3A_288 = arith.constant 4 : i32
      %dma_start3A_289 = arith.constant 512 : i32
      %dma_start3A_290 = arith.constant 0 : i32
      %dma_start3A_291 = tpu.memref_slice %arg8[%dma_start3A_289, %dma_start3A_290] : memref<1280x32xf32, #tpu.memory_space<vmem>> -> memref<128x32xf32, #tpu.memory_space<vmem>>
      %dma_start3A_292 = arith.constant 0 : i32
      %dma_start3A_293 = tpu.memref_slice %arg6[%dma_start3A_288, %dma_start3A_292] : memref<10x128xi32, #tpu.memory_space<vmem>> -> memref<1x128xi32, #tpu.memory_space<vmem>>
      %dma_start3A_294 = tpu.memref_squeeze %dma_start3A_293 : memref<1x128xi32, #tpu.memory_space<vmem>> -> memref<128xi32, #tpu.memory_space<vmem>>
      %dma_start3A_295 = arith.constant 0 : i32
      %dma_start3A_296 = arith.constant 0 : i32
      %dma_start3A_297 = tpu.memref_slice %arg3[%dma_start3A_295, %dma_start3A_296] : memref<4000000x32xf32, #tpu.memory_space<hbm>> -> memref<4000000x32xf32, #tpu.memory_space<hbm>>
      tpu.enqueue_indirect_dma source(%dma_start3A_297 : memref<4000000x32xf32, #tpu.memory_space<hbm>>) target(%dma_start3A_291 : memref<128x32xf32, #tpu.memory_space<vmem>>) offsets(%dma_start3A_294 : memref<128xi32, #tpu.memory_space<vmem>>) semaphore(%arg10 : memref<!tpu.dma_semaphore, #tpu.memory_space<semaphore_mem>>)
      %dma_start3A_298 = arith.constant 5 : i32
      %dma_start3A_299 = arith.constant 640 : i32
      %dma_start3A_300 = arith.constant 0 : i32
      %dma_start3A_301 = tpu.memref_slice %arg8[%dma_start3A_299, %dma_start3A_300] : memref<1280x32xf32, #tpu.memory_space<vmem>> -> memref<128x32xf32, #tpu.memory_space<vmem>>
      %dma_start3A_302 = arith.constant 0 : i32
      %dma_start3A_303 = tpu.memref_slice %arg6[%dma_start3A_298, %dma_start3A_302] : memref<10x128xi32, #tpu.memory_space<vmem>> -> memref<1x128xi32, #tpu.memory_space<vmem>>
      %dma_start3A_304 = tpu.memref_squeeze %dma_start3A_303 : memref<1x128xi32, #tpu.memory_space<vmem>> -> memref<128xi32, #tpu.memory_space<vmem>>
      %dma_start3A_305 = arith.constant 0 : i32
      %dma_start3A_306 = arith.constant 0 : i32
      %dma_start3A_307 = tpu.memref_slice %arg3[%dma_start3A_305, %dma_start3A_306] : memref<4000000x32xf32, #tpu.memory_space<hbm>> -> memref<4000000x32xf32, #tpu.memory_space<hbm>>
      tpu.enqueue_indirect_dma source(%dma_start3A_307 : memref<4000000x32xf32, #tpu.memory_space<hbm>>) target(%dma_start3A_301 : memref<128x32xf32, #tpu.memory_space<vmem>>) offsets(%dma_start3A_304 : memref<128xi32, #tpu.memory_space<vmem>>) semaphore(%arg10 : memref<!tpu.dma_semaphore, #tpu.memory_space<semaphore_mem>>)
      %dma_start3A_308 = arith.constant 6 : i32
      %dma_start3A_309 = arith.constant 768 : i32
      %dma_start3A_310 = arith.constant 0 : i32
      %dma_start3A_311 = tpu.memref_slice %arg8[%dma_start3A_309, %dma_start3A_310] : memref<1280x32xf32, #tpu.memory_space<vmem>> -> memref<128x32xf32, #tpu.memory_space<vmem>>
      %dma_start3A_312 = arith.constant 0 : i32
      %dma_start3A_313 = tpu.memref_slice %arg6[%dma_start3A_308, %dma_start3A_312] : memref<10x128xi32, #tpu.memory_space<vmem>> -> memref<1x128xi32, #tpu.memory_space<vmem>>
      %dma_start3A_314 = tpu.memref_squeeze %dma_start3A_313 : memref<1x128xi32, #tpu.memory_space<vmem>> -> memref<128xi32, #tpu.memory_space<vmem>>
      %dma_start3A_315 = arith.constant 0 : i32
      %dma_start3A_316 = arith.constant 0 : i32
      %dma_start3A_317 = tpu.memref_slice %arg3[%dma_start3A_315, %dma_start3A_316] : memref<4000000x32xf32, #tpu.memory_space<hbm>> -> memref<4000000x32xf32, #tpu.memory_space<hbm>>
      tpu.enqueue_indirect_dma source(%dma_start3A_317 : memref<4000000x32xf32, #tpu.memory_space<hbm>>) target(%dma_start3A_311 : memref<128x32xf32, #tpu.memory_space<vmem>>) offsets(%dma_start3A_314 : memref<128xi32, #tpu.memory_space<vmem>>) semaphore(%arg10 : memref<!tpu.dma_semaphore, #tpu.memory_space<semaphore_mem>>)
      %dma_start3A_318 = arith.constant 7 : i32
      %dma_start3A_319 = arith.constant 896 : i32
      %dma_start3A_320 = arith.constant 0 : i32
      %dma_start3A_321 = tpu.memref_slice %arg8[%dma_start3A_319, %dma_start3A_320] : memref<1280x32xf32, #tpu.memory_space<vmem>> -> memref<128x32xf32, #tpu.memory_space<vmem>>
      %dma_start3A_322 = arith.constant 0 : i32
      %dma_start3A_323 = tpu.memref_slice %arg6[%dma_start3A_318, %dma_start3A_322] : memref<10x128xi32, #tpu.memory_space<vmem>> -> memref<1x128xi32, #tpu.memory_space<vmem>>
      %dma_start3A_324 = tpu.memref_squeeze %dma_start3A_323 : memref<1x128xi32, #tpu.memory_space<vmem>> -> memref<128xi32, #tpu.memory_space<vmem>>
      %dma_start3A_325 = arith.constant 0 : i32
      %dma_start3A_326 = arith.constant 0 : i32
      %dma_start3A_327 = tpu.memref_slice %arg3[%dma_start3A_325, %dma_start3A_326] : memref<4000000x32xf32, #tpu.memory_space<hbm>> -> memref<4000000x32xf32, #tpu.memory_space<hbm>>
      tpu.enqueue_indirect_dma source(%dma_start3A_327 : memref<4000000x32xf32, #tpu.memory_space<hbm>>) target(%dma_start3A_321 : memref<128x32xf32, #tpu.memory_space<vmem>>) offsets(%dma_start3A_324 : memref<128xi32, #tpu.memory_space<vmem>>) semaphore(%arg10 : memref<!tpu.dma_semaphore, #tpu.memory_space<semaphore_mem>>)
      %dma_start3A_328 = arith.constant 8 : i32
      %dma_start3A_329 = arith.constant 1024 : i32
      %dma_start3A_330 = arith.constant 0 : i32
      %dma_start3A_331 = tpu.memref_slice %arg8[%dma_start3A_329, %dma_start3A_330] : memref<1280x32xf32, #tpu.memory_space<vmem>> -> memref<128x32xf32, #tpu.memory_space<vmem>>
      %dma_start3A_332 = arith.constant 0 : i32
      %dma_start3A_333 = tpu.memref_slice %arg6[%dma_start3A_328, %dma_start3A_332] : memref<10x128xi32, #tpu.memory_space<vmem>> -> memref<1x128xi32, #tpu.memory_space<vmem>>
      %dma_start3A_334 = tpu.memref_squeeze %dma_start3A_333 : memref<1x128xi32, #tpu.memory_space<vmem>> -> memref<128xi32, #tpu.memory_space<vmem>>
      %dma_start3A_335 = arith.constant 0 : i32
      %dma_start3A_336 = arith.constant 0 : i32
      %dma_start3A_337 = tpu.memref_slice %arg3[%dma_start3A_335, %dma_start3A_336] : memref<4000000x32xf32, #tpu.memory_space<hbm>> -> memref<4000000x32xf32, #tpu.memory_space<hbm>>
      tpu.enqueue_indirect_dma source(%dma_start3A_337 : memref<4000000x32xf32, #tpu.memory_space<hbm>>) target(%dma_start3A_331 : memref<128x32xf32, #tpu.memory_space<vmem>>) offsets(%dma_start3A_334 : memref<128xi32, #tpu.memory_space<vmem>>) semaphore(%arg10 : memref<!tpu.dma_semaphore, #tpu.memory_space<semaphore_mem>>)
      %dma_start3A_338 = arith.constant 9 : i32
      %dma_start3A_339 = arith.constant 1152 : i32
      %dma_start3A_340 = arith.constant 0 : i32
      %dma_start3A_341 = tpu.memref_slice %arg8[%dma_start3A_339, %dma_start3A_340] : memref<1280x32xf32, #tpu.memory_space<vmem>> -> memref<128x32xf32, #tpu.memory_space<vmem>>
      %dma_start3A_342 = arith.constant 0 : i32
      %dma_start3A_343 = tpu.memref_slice %arg6[%dma_start3A_338, %dma_start3A_342] : memref<10x128xi32, #tpu.memory_space<vmem>> -> memref<1x128xi32, #tpu.memory_space<vmem>>
      %dma_start3A_344 = tpu.memref_squeeze %dma_start3A_343 : memref<1x128xi32, #tpu.memory_space<vmem>> -> memref<128xi32, #tpu.memory_space<vmem>>
      %dma_start3A_345 = arith.constant 0 : i32
      %dma_start3A_346 = arith.constant 0 : i32
      %dma_start3A_347 = tpu.memref_slice %arg3[%dma_start3A_345, %dma_start3A_346] : memref<4000000x32xf32, #tpu.memory_space<hbm>> -> memref<4000000x32xf32, #tpu.memory_space<hbm>>
      tpu.enqueue_indirect_dma source(%dma_start3A_347 : memref<4000000x32xf32, #tpu.memory_space<hbm>>) target(%dma_start3A_341 : memref<128x32xf32, #tpu.memory_space<vmem>>) offsets(%dma_start3A_344 : memref<128xi32, #tpu.memory_space<vmem>>) semaphore(%arg10 : memref<!tpu.dma_semaphore, #tpu.memory_space<semaphore_mem>>)
      %dma_wait3A_348 = arith.constant 0 : i32
      %dma_wait3A_349 = arith.constant 0 : i32
      %dma_wait3A_350 = arith.constant 0 : i32
      %dma_wait3A_351 = tpu.memref_slice %arg8[%dma_wait3A_349, %dma_wait3A_350] : memref<1280x32xf32, #tpu.memory_space<vmem>> -> memref<128x32xf32, #tpu.memory_space<vmem>>
      %dma_wait3A_352 = arith.constant 0 : i32
      %dma_wait3A_353 = tpu.memref_slice %arg6[%dma_wait3A_348, %dma_wait3A_352] : memref<10x128xi32, #tpu.memory_space<vmem>> -> memref<1x128xi32, #tpu.memory_space<vmem>>
      %dma_wait3A_354 = tpu.memref_squeeze %dma_wait3A_353 : memref<1x128xi32, #tpu.memory_space<vmem>> -> memref<128xi32, #tpu.memory_space<vmem>>
      %dma_wait3A_355 = arith.constant 0 : i32
      %dma_wait3A_356 = arith.constant 0 : i32
      %dma_wait3A_357 = tpu.memref_slice %arg3[%dma_wait3A_355, %dma_wait3A_356] : memref<4000000x32xf32, #tpu.memory_space<hbm>> -> memref<4000000x32xf32, #tpu.memory_space<hbm>>
      tpu.wait_indirect_dma semaphore(%arg10 : memref<!tpu.dma_semaphore, #tpu.memory_space<semaphore_mem>>) src(%dma_wait3A_357 : memref<4000000x32xf32, #tpu.memory_space<hbm>>) dst(%dma_wait3A_351 : memref<128x32xf32, #tpu.memory_space<vmem>>)
      %dma_wait3A_358 = arith.constant 1 : i32
      %dma_wait3A_359 = arith.constant 128 : i32
      %dma_wait3A_360 = arith.constant 0 : i32
      %dma_wait3A_361 = tpu.memref_slice %arg8[%dma_wait3A_359, %dma_wait3A_360] : memref<1280x32xf32, #tpu.memory_space<vmem>> -> memref<128x32xf32, #tpu.memory_space<vmem>>
      %dma_wait3A_362 = arith.constant 0 : i32
      %dma_wait3A_363 = tpu.memref_slice %arg6[%dma_wait3A_358, %dma_wait3A_362] : memref<10x128xi32, #tpu.memory_space<vmem>> -> memref<1x128xi32, #tpu.memory_space<vmem>>
      %dma_wait3A_364 = tpu.memref_squeeze %dma_wait3A_363 : memref<1x128xi32, #tpu.memory_space<vmem>> -> memref<128xi32, #tpu.memory_space<vmem>>
      %dma_wait3A_365 = arith.constant 0 : i32
      %dma_wait3A_366 = arith.constant 0 : i32
      %dma_wait3A_367 = tpu.memref_slice %arg3[%dma_wait3A_365, %dma_wait3A_366] : memref<4000000x32xf32, #tpu.memory_space<hbm>> -> memref<4000000x32xf32, #tpu.memory_space<hbm>>
      tpu.wait_indirect_dma semaphore(%arg10 : memref<!tpu.dma_semaphore, #tpu.memory_space<semaphore_mem>>) src(%dma_wait3A_367 : memref<4000000x32xf32, #tpu.memory_space<hbm>>) dst(%dma_wait3A_361 : memref<128x32xf32, #tpu.memory_space<vmem>>)
      %dma_wait3A_368 = arith.constant 2 : i32
      %dma_wait3A_369 = arith.constant 256 : i32
      %dma_wait3A_370 = arith.constant 0 : i32
      %dma_wait3A_371 = tpu.memref_slice %arg8[%dma_wait3A_369, %dma_wait3A_370] : memref<1280x32xf32, #tpu.memory_space<vmem>> -> memref<128x32xf32, #tpu.memory_space<vmem>>
      %dma_wait3A_372 = arith.constant 0 : i32
      %dma_wait3A_373 = tpu.memref_slice %arg6[%dma_wait3A_368, %dma_wait3A_372] : memref<10x128xi32, #tpu.memory_space<vmem>> -> memref<1x128xi32, #tpu.memory_space<vmem>>
      %dma_wait3A_374 = tpu.memref_squeeze %dma_wait3A_373 : memref<1x128xi32, #tpu.memory_space<vmem>> -> memref<128xi32, #tpu.memory_space<vmem>>
      %dma_wait3A_375 = arith.constant 0 : i32
      %dma_wait3A_376 = arith.constant 0 : i32
      %dma_wait3A_377 = tpu.memref_slice %arg3[%dma_wait3A_375, %dma_wait3A_376] : memref<4000000x32xf32, #tpu.memory_space<hbm>> -> memref<4000000x32xf32, #tpu.memory_space<hbm>>
      tpu.wait_indirect_dma semaphore(%arg10 : memref<!tpu.dma_semaphore, #tpu.memory_space<semaphore_mem>>) src(%dma_wait3A_377 : memref<4000000x32xf32, #tpu.memory_space<hbm>>) dst(%dma_wait3A_371 : memref<128x32xf32, #tpu.memory_space<vmem>>)
      %dma_wait3A_378 = arith.constant 3 : i32
      %dma_wait3A_379 = arith.constant 384 : i32
      %dma_wait3A_380 = arith.constant 0 : i32
      %dma_wait3A_381 = tpu.memref_slice %arg8[%dma_wait3A_379, %dma_wait3A_380] : memref<1280x32xf32, #tpu.memory_space<vmem>> -> memref<128x32xf32, #tpu.memory_space<vmem>>
      %dma_wait3A_382 = arith.constant 0 : i32
      %dma_wait3A_383 = tpu.memref_slice %arg6[%dma_wait3A_378, %dma_wait3A_382] : memref<10x128xi32, #tpu.memory_space<vmem>> -> memref<1x128xi32, #tpu.memory_space<vmem>>
      %dma_wait3A_384 = tpu.memref_squeeze %dma_wait3A_383 : memref<1x128xi32, #tpu.memory_space<vmem>> -> memref<128xi32, #tpu.memory_space<vmem>>
      %dma_wait3A_385 = arith.constant 0 : i32
      %dma_wait3A_386 = arith.constant 0 : i32
      %dma_wait3A_387 = tpu.memref_slice %arg3[%dma_wait3A_385, %dma_wait3A_386] : memref<4000000x32xf32, #tpu.memory_space<hbm>> -> memref<4000000x32xf32, #tpu.memory_space<hbm>>
      tpu.wait_indirect_dma semaphore(%arg10 : memref<!tpu.dma_semaphore, #tpu.memory_space<semaphore_mem>>) src(%dma_wait3A_387 : memref<4000000x32xf32, #tpu.memory_space<hbm>>) dst(%dma_wait3A_381 : memref<128x32xf32, #tpu.memory_space<vmem>>)
      %dma_wait3A_388 = arith.constant 4 : i32
      %dma_wait3A_389 = arith.constant 512 : i32
      %dma_wait3A_390 = arith.constant 0 : i32
      %dma_wait3A_391 = tpu.memref_slice %arg8[%dma_wait3A_389, %dma_wait3A_390] : memref<1280x32xf32, #tpu.memory_space<vmem>> -> memref<128x32xf32, #tpu.memory_space<vmem>>
      %dma_wait3A_392 = arith.constant 0 : i32
      %dma_wait3A_393 = tpu.memref_slice %arg6[%dma_wait3A_388, %dma_wait3A_392] : memref<10x128xi32, #tpu.memory_space<vmem>> -> memref<1x128xi32, #tpu.memory_space<vmem>>
      %dma_wait3A_394 = tpu.memref_squeeze %dma_wait3A_393 : memref<1x128xi32, #tpu.memory_space<vmem>> -> memref<128xi32, #tpu.memory_space<vmem>>
      %dma_wait3A_395 = arith.constant 0 : i32
      %dma_wait3A_396 = arith.constant 0 : i32
      %dma_wait3A_397 = tpu.memref_slice %arg3[%dma_wait3A_395, %dma_wait3A_396] : memref<4000000x32xf32, #tpu.memory_space<hbm>> -> memref<4000000x32xf32, #tpu.memory_space<hbm>>
      tpu.wait_indirect_dma semaphore(%arg10 : memref<!tpu.dma_semaphore, #tpu.memory_space<semaphore_mem>>) src(%dma_wait3A_397 : memref<4000000x32xf32, #tpu.memory_space<hbm>>) dst(%dma_wait3A_391 : memref<128x32xf32, #tpu.memory_space<vmem>>)
      %dma_wait3A_398 = arith.constant 5 : i32
      %dma_wait3A_399 = arith.constant 640 : i32
      %dma_wait3A_400 = arith.constant 0 : i32
      %dma_wait3A_401 = tpu.memref_slice %arg8[%dma_wait3A_399, %dma_wait3A_400] : memref<1280x32xf32, #tpu.memory_space<vmem>> -> memref<128x32xf32, #tpu.memory_space<vmem>>
      %dma_wait3A_402 = arith.constant 0 : i32
      %dma_wait3A_403 = tpu.memref_slice %arg6[%dma_wait3A_398, %dma_wait3A_402] : memref<10x128xi32, #tpu.memory_space<vmem>> -> memref<1x128xi32, #tpu.memory_space<vmem>>
      %dma_wait3A_404 = tpu.memref_squeeze %dma_wait3A_403 : memref<1x128xi32, #tpu.memory_space<vmem>> -> memref<128xi32, #tpu.memory_space<vmem>>
      %dma_wait3A_405 = arith.constant 0 : i32
      %dma_wait3A_406 = arith.constant 0 : i32
      %dma_wait3A_407 = tpu.memref_slice %arg3[%dma_wait3A_405, %dma_wait3A_406] : memref<4000000x32xf32, #tpu.memory_space<hbm>> -> memref<4000000x32xf32, #tpu.memory_space<hbm>>
      tpu.wait_indirect_dma semaphore(%arg10 : memref<!tpu.dma_semaphore, #tpu.memory_space<semaphore_mem>>) src(%dma_wait3A_407 : memref<4000000x32xf32, #tpu.memory_space<hbm>>) dst(%dma_wait3A_401 : memref<128x32xf32, #tpu.memory_space<vmem>>)
      %dma_wait3A_408 = arith.constant 6 : i32
      %dma_wait3A_409 = arith.constant 768 : i32
      %dma_wait3A_410 = arith.constant 0 : i32
      %dma_wait3A_411 = tpu.memref_slice %arg8[%dma_wait3A_409, %dma_wait3A_410] : memref<1280x32xf32, #tpu.memory_space<vmem>> -> memref<128x32xf32, #tpu.memory_space<vmem>>
      %dma_wait3A_412 = arith.constant 0 : i32
      %dma_wait3A_413 = tpu.memref_slice %arg6[%dma_wait3A_408, %dma_wait3A_412] : memref<10x128xi32, #tpu.memory_space<vmem>> -> memref<1x128xi32, #tpu.memory_space<vmem>>
      %dma_wait3A_414 = tpu.memref_squeeze %dma_wait3A_413 : memref<1x128xi32, #tpu.memory_space<vmem>> -> memref<128xi32, #tpu.memory_space<vmem>>
      %dma_wait3A_415 = arith.constant 0 : i32
      %dma_wait3A_416 = arith.constant 0 : i32
      %dma_wait3A_417 = tpu.memref_slice %arg3[%dma_wait3A_415, %dma_wait3A_416] : memref<4000000x32xf32, #tpu.memory_space<hbm>> -> memref<4000000x32xf32, #tpu.memory_space<hbm>>
      tpu.wait_indirect_dma semaphore(%arg10 : memref<!tpu.dma_semaphore, #tpu.memory_space<semaphore_mem>>) src(%dma_wait3A_417 : memref<4000000x32xf32, #tpu.memory_space<hbm>>) dst(%dma_wait3A_411 : memref<128x32xf32, #tpu.memory_space<vmem>>)
      %dma_wait3A_418 = arith.constant 7 : i32
      %dma_wait3A_419 = arith.constant 896 : i32
      %dma_wait3A_420 = arith.constant 0 : i32
      %dma_wait3A_421 = tpu.memref_slice %arg8[%dma_wait3A_419, %dma_wait3A_420] : memref<1280x32xf32, #tpu.memory_space<vmem>> -> memref<128x32xf32, #tpu.memory_space<vmem>>
      %dma_wait3A_422 = arith.constant 0 : i32
      %dma_wait3A_423 = tpu.memref_slice %arg6[%dma_wait3A_418, %dma_wait3A_422] : memref<10x128xi32, #tpu.memory_space<vmem>> -> memref<1x128xi32, #tpu.memory_space<vmem>>
      %dma_wait3A_424 = tpu.memref_squeeze %dma_wait3A_423 : memref<1x128xi32, #tpu.memory_space<vmem>> -> memref<128xi32, #tpu.memory_space<vmem>>
      %dma_wait3A_425 = arith.constant 0 : i32
      %dma_wait3A_426 = arith.constant 0 : i32
      %dma_wait3A_427 = tpu.memref_slice %arg3[%dma_wait3A_425, %dma_wait3A_426] : memref<4000000x32xf32, #tpu.memory_space<hbm>> -> memref<4000000x32xf32, #tpu.memory_space<hbm>>
      tpu.wait_indirect_dma semaphore(%arg10 : memref<!tpu.dma_semaphore, #tpu.memory_space<semaphore_mem>>) src(%dma_wait3A_427 : memref<4000000x32xf32, #tpu.memory_space<hbm>>) dst(%dma_wait3A_421 : memref<128x32xf32, #tpu.memory_space<vmem>>)
      %dma_wait3A_428 = arith.constant 8 : i32
      %dma_wait3A_429 = arith.constant 1024 : i32
      %dma_wait3A_430 = arith.constant 0 : i32
      %dma_wait3A_431 = tpu.memref_slice %arg8[%dma_wait3A_429, %dma_wait3A_430] : memref<1280x32xf32, #tpu.memory_space<vmem>> -> memref<128x32xf32, #tpu.memory_space<vmem>>
      %dma_wait3A_432 = arith.constant 0 : i32
      %dma_wait3A_433 = tpu.memref_slice %arg6[%dma_wait3A_428, %dma_wait3A_432] : memref<10x128xi32, #tpu.memory_space<vmem>> -> memref<1x128xi32, #tpu.memory_space<vmem>>
      %dma_wait3A_434 = tpu.memref_squeeze %dma_wait3A_433 : memref<1x128xi32, #tpu.memory_space<vmem>> -> memref<128xi32, #tpu.memory_space<vmem>>
      %dma_wait3A_435 = arith.constant 0 : i32
      %dma_wait3A_436 = arith.constant 0 : i32
      %dma_wait3A_437 = tpu.memref_slice %arg3[%dma_wait3A_435, %dma_wait3A_436] : memref<4000000x32xf32, #tpu.memory_space<hbm>> -> memref<4000000x32xf32, #tpu.memory_space<hbm>>
      tpu.wait_indirect_dma semaphore(%arg10 : memref<!tpu.dma_semaphore, #tpu.memory_space<semaphore_mem>>) src(%dma_wait3A_437 : memref<4000000x32xf32, #tpu.memory_space<hbm>>) dst(%dma_wait3A_431 : memref<128x32xf32, #tpu.memory_space<vmem>>)
      %dma_wait3A_438 = arith.constant 9 : i32
      %dma_wait3A_439 = arith.constant 1152 : i32
      %dma_wait3A_440 = arith.constant 0 : i32
      %dma_wait3A_441 = tpu.memref_slice %arg8[%dma_wait3A_439, %dma_wait3A_440] : memref<1280x32xf32, #tpu.memory_space<vmem>> -> memref<128x32xf32, #tpu.memory_space<vmem>>
      %dma_wait3A_442 = arith.constant 0 : i32
      %dma_wait3A_443 = tpu.memref_slice %arg6[%dma_wait3A_438, %dma_wait3A_442] : memref<10x128xi32, #tpu.memory_space<vmem>> -> memref<1x128xi32, #tpu.memory_space<vmem>>
      %dma_wait3A_444 = tpu.memref_squeeze %dma_wait3A_443 : memref<1x128xi32, #tpu.memory_space<vmem>> -> memref<128xi32, #tpu.memory_space<vmem>>
      %dma_wait3A_445 = arith.constant 0 : i32
      %dma_wait3A_446 = arith.constant 0 : i32
      %dma_wait3A_447 = tpu.memref_slice %arg3[%dma_wait3A_445, %dma_wait3A_446] : memref<4000000x32xf32, #tpu.memory_space<hbm>> -> memref<4000000x32xf32, #tpu.memory_space<hbm>>
      tpu.wait_indirect_dma semaphore(%arg10 : memref<!tpu.dma_semaphore, #tpu.memory_space<semaphore_mem>>) src(%dma_wait3A_447 : memref<4000000x32xf32, #tpu.memory_space<hbm>>) dst(%dma_wait3A_441 : memref<128x32xf32, #tpu.memory_space<vmem>>)
      %mul3A_448 = arith.constant 1280 : i32
      %mul3A_449 = arith.muli %add3A_239, %mul3A_448 : i32
      %add3A_450 = arith.addi %mul3A_2, %mul3A_449 : i32
      %dma_start3A_451 = arith.constant 0 : i32
      %dma_start3A_452 = tpu.memref_slice %arg4[%add3A_450, %dma_start3A_451] : memref<819200x32xf32, #tpu.memory_space<hbm>> -> memref<1280x32xf32, #tpu.memory_space<hbm>>
      %dma_start3A_453 = arith.constant 0 : i32
      %dma_start3A_454 = tpu.memref_slice %arg4[%add3A_450, %dma_start3A_453] : memref<819200x32xf32, #tpu.memory_space<hbm>> -> memref<1280x32xf32, #tpu.memory_space<hbm>>
      tpu.enqueue_dma source(%arg8 : memref<1280x32xf32, #tpu.memory_space<vmem>>) target(%dma_start3A_454 : memref<1280x32xf32, #tpu.memory_space<hbm>>) target_semaphore(%arg12 : memref<!tpu.dma_semaphore, #tpu.memory_space<semaphore_mem>>)
    }
    %scan3A_8 = arith.constant 10 : i32
    %dma_wait3A = arith.constant 0 : i32
    %dma_wait3A_9 = tpu.memref_slice %arg4[%mul3A_2, %dma_wait3A] : memref<819200x32xf32, #tpu.memory_space<hbm>> -> memref<1280x32xf32, #tpu.memory_space<hbm>>
    %dma_wait3A_10 = arith.constant 0 : i32
    %dma_wait3A_11 = tpu.memref_slice %arg4[%mul3A_2, %dma_wait3A_10] : memref<819200x32xf32, #tpu.memory_space<hbm>> -> memref<1280x32xf32, #tpu.memory_space<hbm>>
    tpu.wait_dma2 semaphore(%arg11 : memref<!tpu.dma_semaphore, #tpu.memory_space<semaphore_mem>>) src(%arg7 : memref<1280x32xf32, #tpu.memory_space<vmem>>) dst(%dma_wait3A_11 : memref<1280x32xf32, #tpu.memory_space<hbm>>)
    %dma_wait3A_12 = arith.constant 0 : i32
    %dma_wait3A_13 = tpu.memref_slice %arg4[%mul3A_2, %dma_wait3A_12] : memref<819200x32xf32, #tpu.memory_space<hbm>> -> memref<1280x32xf32, #tpu.memory_space<hbm>>
    %dma_wait3A_14 = arith.constant 0 : i32
    %dma_wait3A_15 = tpu.memref_slice %arg4[%mul3A_2, %dma_wait3A_14] : memref<819200x32xf32, #tpu.memory_space<hbm>> -> memref<1280x32xf32, #tpu.memory_space<hbm>>
    tpu.wait_dma2 semaphore(%arg12 : memref<!tpu.dma_semaphore, #tpu.memory_space<semaphore_mem>>) src(%arg8 : memref<1280x32xf32, #tpu.memory_space<vmem>>) dst(%dma_wait3A_15 : memref<1280x32xf32, #tpu.memory_space<hbm>>)
    return
  }
}

module attributes {stable_mosaic.version = 14 : i64} {
  func.func @body(%arg0: i32, %arg1: memref<32x16384xf32, #tpu.memory_space<vmem>>, %arg2: memref<32x16384xf32, #tpu.memory_space<vmem>>, %arg3: memref<32x16384xf32, #tpu.memory_space<vmem>>, %arg4: memref<16384x128xf32, #tpu.memory_space<vmem>>) attributes {dimension_semantics = [#tpu.dimension_semantics<arbitrary>], iteration_bounds = array<i64: 62>, scalar_prefetch = 0 : i64, scratch_operands = 0 : i64, tpu.core_type = #tpu.core_type<tc>, window_params = [{transform_indices = @transform_0, window_bounds = array<i64: 32, 16384>}, {transform_indices = @transform_1, window_bounds = array<i64: 32, 16384>}, {transform_indices = @transform_2, window_bounds = array<i64: 32, 16384>}, {transform_indices = @transform_3, window_bounds = array<i64: 16384, 128>}]} {
    %get3A = arith.constant 0 : index
    %get3A_0 = arith.constant 0 : index
    %get3A_1 = vector.load %arg1[%get3A, %get3A_0] : memref<32x16384xf32, #tpu.memory_space<vmem>>, vector<32x16384xf32>
    %get3A_2 = arith.constant 0 : index
    %get3A_3 = arith.constant 0 : index
    %get3A_4 = vector.load %arg2[%get3A_2, %get3A_3] : memref<32x16384xf32, #tpu.memory_space<vmem>>, vector<32x16384xf32>
    %mul3A = arith.mulf %get3A_1, %get3A_4 : vector<32x16384xf32>
    %get3A_5 = arith.constant 0 : index
    %get3A_6 = arith.constant 0 : index
    %get3A_7 = vector.load %arg3[%get3A_5, %get3A_6] : memref<32x16384xf32, #tpu.memory_space<vmem>>, vector<32x16384xf32>
    %add3A = arith.addf %mul3A, %get3A_7 : vector<32x16384xf32>
    %transpose3A = tpu.transpose %add3A, [1, 0] : vector<32x16384xf32> -> vector<16384x32xf32>
    %swap3A = arith.constant 0 : index
    %swap3A_8 = arith.constant 0 : index
    %swap3A_9 = vector.load %arg4[%swap3A, %swap3A_8] : memref<16384x128xf32, #tpu.memory_space<vmem>>, vector<16384x32xf32>
    tpu.vector_store %arg4[%swap3A, %swap3A_8], %transpose3A {strides = array<i32>} : memref<16384x128xf32, #tpu.memory_space<vmem>>, vector<16384x32xf32>,
    return
  }
  func.func @transform_0(%arg0: i32) -> (i32, i32) {
    %c0_i32 = arith.constant 0 : i32
    %c0_i32_0 = arith.constant 0 : i32
    return %c0_i32, %arg0 : i32, i32
  }
  func.func @transform_1(%arg0: i32) -> (i32, i32) {
    %c0_i32 = arith.constant 0 : i32
    %c0_i32_0 = arith.constant 0 : i32
    return %c0_i32, %arg0 : i32, i32
  }
  func.func @transform_2(%arg0: i32) -> (i32, i32) {
    %c0_i32 = arith.constant 0 : i32
    %c0_i32_0 = arith.constant 0 : i32
    return %c0_i32, %arg0 : i32, i32
  }
  func.func @transform_3(%arg0: i32) -> (i32, i32) {
    %c0_i32 = arith.constant 0 : i32
    %c0_i32_0 = arith.constant 0 : i32
    return %arg0, %c0_i32 : i32, i32
  }
}

module attributes {stable_mosaic.version = 14 : i64} {
  func.func @body(%arg0: i32, %arg1: memref<4096x128xf32, #tpu.memory_space<vmem>>, %arg2: memref<4x32x4096xf32, #tpu.memory_space<vmem>>) attributes {dimension_semantics = [#tpu.dimension_semantics<arbitrary>], iteration_bounds = array<i64: 50>, scalar_prefetch = 0 : i64, scratch_operands = 0 : i64, tpu.core_type = #tpu.core_type<tc>, window_params = [{transform_indices = @transform_0, window_bounds = array<i64: 4096, 128>}, {transform_indices = @transform_1, window_bounds = array<i64: 4, 32, 4096>}]} {
    %get3A = arith.constant 0 : index
    %get3A_0 = arith.constant 0 : index
    %get3A_1 = vector.load %arg1[%get3A, %get3A_0] : memref<4096x128xf32, #tpu.memory_space<vmem>>, vector<4096x128xf32>
    %transpose3A = tpu.transpose %get3A_1, [1, 0] : vector<4096x128xf32> -> vector<128x4096xf32>
    %reshape3A = vector.shape_cast %transpose3A : vector<128x4096xf32> to vector<4x32x4096xf32>
    %swap3A = arith.constant 0 : index
    %swap3A_2 = arith.constant 0 : index
    %swap3A_3 = arith.constant 0 : index
    %swap3A_4 = vector.load %arg2[%swap3A, %swap3A_2, %swap3A_3] : memref<4x32x4096xf32, #tpu.memory_space<vmem>>, vector<4x32x4096xf32>
    tpu.vector_store %arg2[%swap3A, %swap3A_2, %swap3A_3], %reshape3A {strides = array<i32>} : memref<4x32x4096xf32, #tpu.memory_space<vmem>>, vector<4x32x4096xf32>,
    return
  }
  func.func @transform_0(%arg0: i32) -> (i32, i32) {
    %c0_i32 = arith.constant 0 : i32
    %c0_i32_0 = arith.constant 0 : i32
    return %c0_i32, %arg0 : i32, i32
  }
  func.func @transform_1(%arg0: i32) -> (i32, i32, i32) {
    %c0_i32 = arith.constant 0 : i32
    %c0_i32_0 = arith.constant 0 : i32
    %c0_i32_1 = arith.constant 0 : i32
    return %arg0, %c0_i32, %c0_i32_0 : i32, i32, i32
  }
}

</mosaic_0001>

<sc_bundles>
// kernel: kernel.5.cloned.1.call-start
scs
__scs_entry_jumppad:
0x0: {  	(pc) =	sbr.rel $0x88, $3  }
0x1: {  	(tag) =	ssettag $0x0;
	lr =	simm.s32 $0x1  }
0x2: {  	[smem:$0x3F9D] =	sst lr;
	_ =	strace $0xD0000000  }
0x3: {  	_ = 	snop  }
0x4: {  	_ = 	snop  }
0x5: {  	_ = 	snop  }
0x6: {  	_ = 	snop  }
0x7: {  	_ = 	snop  }
__scs_overlays_trampoline_lowered:
0x8: {  	[smem:$0x3FAC] =	sst s0  }
0x9: {  	[smem:$0x3FAD] =	sst s1  }
0xa: {  	[smem:$0x3FAE] =	sst s2  }
0xb: {  	[smem:$0x3FAF] =	sst s3  }
0xc: {  	[smem:$0x3FB0] =	sst s4  }
0xd: {  	[smem:$0x3FB1] =	sst s5  }
0xe: {  	[smem:$0x3FB2] =	sst s6  }
0xf: {  	[smem:$0x3FB3] =	sst s7  }
0x10: {  	[smem:$0x3FB4] =	sst s8  }
0x11: {  	[smem:$0x3FB5] =	sst s9;
	s0 =	simm.s32 @!p0 $0x0  }
0x12: {  	s1 =	sld [smem:$0x3F9B];
	s0 =	simm.s32 @p0 $0x1  }
0x13: {  	[smem:$0x3FB6] =	sst s0;
	s0 =	simm.s32 @!p1 $0x0  }
0x14: {  	s2 =	sld [smem:$0x3F9A];
	s0 =	simm.s32 @p1 $0x1  }
0x15: {  	[smem:$0x3FB7] =	sst s0;
	s0 =	simm.s32 @!p2 $0x0  }
0x16: {  	s3 =	sld [smem:$0x3FDB];
	s0 =	simm.s32 @p2 $0x1  }
0x17: {  	s4 =	simm.s32 $0x1BF5;
	[smem:$0x3FB9] =	sst s0  }
0x18: {  	s0 =	sld [smem:$0x3F9C];
	_ =	swait.ge [sflag:s4], $0x0  }
0x19: {  	s7 =	sld [smem:$0x3F9D]  }
0x1a: {  	s8 =	sadd.s32 $0xFFFFE003, lr  }
0x1b: {  	s9 =	sadd.s32 $0xFFFFFEF7, lr;
	s5 =	simm.s32 $0xFFFFFFFF;
	p2 =	slt.u32 s8, $0xFFFFF086  }
0x1c: {  	p1 =	slt.u32 s9, $0xF7A;
	s5 =	simm.s32 @!p2 $0x0  }
0x1d: {  	s5 =	simm.s32 @p1 $0x1;
	p0 =	seq.s32 s7, s2  }
0x1e: {  	s7 =	smul.u32 @!p0 $0xF7A, s2;
	p2 =	seq.s32 @!p0 s5, $0x0  }
0x1f: {  	s9 =	smul.u32 $0xF7A, s1;
	s8 =	simm.s32 @!p0 $0x1BF5;
	p2 =	por !p2, p0  }
0x20: {  	[sflag:s8] =	ssyncset.s32 @!p0 $0xFFFFF086;
	s6 =	sadd.s32 @!p0 s3, s7;
	s7 =	simm.s32 @!p0 $0x108  }
0x21: {  	s3 =	sadd.s32 s3, s9;
	s6 =	sadd.s32 @!p0 $0x88, s6;
	s7 =	simm.s32 @p2 $0x1082  }
0x22: {  	[simem:s7], [sflag:s8] =	dma.local @!p0 [hbm:s6], $0xF7A  }
0x23: {  	s9 =	sor.u32 $0xD0000000, s2;
	s6 =	simm.s32 $0x108;
	_ =	swait.ge @!p0 [sflag:s8], $0x0  }
0x24: {  	s3 =	sadd.s32 $0x88, s3;
	s6 =	simm.s32 @!p1 $0x1082;
	[sflag:s4] =	ssyncset.s32 $0xFFFFF086  }
0x25: {  	[simem:s6], [sflag:s4] =	dma.local [hbm:s3], $0xF7A  }
0x26: {  	[smem:$0x3F9D] =	sst s1;
	(tag) =	ssettag s2;
	_ =	strace s9  }
0x27: {  	s1 =	sld [smem:$0x3FAD]  }
0x28: {  	s2 =	sld [smem:$0x3FAE]  }
0x29: {  	s4 =	sld [smem:$0x3FB0]  }
0x2a: {  	p0 =	seq.s32 s5, $0x0;
	s5 =	sld [smem:$0x3FB1]  }
0x2b: {  	s6 =	sld [smem:$0x3FB2]  }
0x2c: {  	s7 =	sld [smem:$0x3FB3]  }
0x2d: {  	s3 =	simm.s32 $0x108;
	s8 =	sld [smem:$0x3FB4]  }
0x2e: {  	s3 =	simm.s32 @!p0 $0x1082;
	s9 =	sld [smem:$0x3FB5]  }
0x2f: {  	lr =	sadd.s32 s0, s3;
	s0 =	sld [smem:$0x3FAC]  }
0x30: {  	s3 =	sld [smem:$0x3FAF]  }
0x31: {  	[smem:$0x3FB8] =	sst s10  }
0x32: {  	s10 =	sld [smem:$0x3FB6];
	_ =	sdelay $0x3  }
0x33: {  	p0 =	seq.s32 s10, $0x1;
	s10 =	sld [smem:$0x3FB8];
	_ =	sdelay $0x3  }
0x34: {  	[smem:$0x3FB8] =	sst s10  }
0x35: {  	s10 =	sld [smem:$0x3FB7];
	_ =	sdelay $0x3  }
0x36: {  	p1 =	seq.s32 s10, $0x1;
	s10 =	sld [smem:$0x3FB8];
	_ =	sdelay $0x3  }
0x37: {  	[smem:$0x3FB8] =	sst s10  }
0x38: {  	s10 =	sld [smem:$0x3FB9]  }
0x39: {  	_ = 	snop;
	(pc) =	sbr.ind lr, $3  }
0x3a: {  	_ = 	snop  }
0x3b: {  	_ = 	snop  }
0x3c: {  	p2 =	seq.s32 s10, $0x1;
	s10 =	sld [smem:$0x3FB8]  }
0x3d: {  	_ =	shalt  }
0x3e: {  	_ =	shalt  }
0x3f: {  	_ =	shalt  }
0x40: {  	_ =	shalt  }
0x41: {  	_ =	shalt  }
0x42: {  	_ =	shalt  }
0x43: {  	_ =	shalt  }
0x44: {  	_ =	shalt  }
0x45: {  	_ =	shalt  }
0x46: {  	_ =	shalt  }
0x47: {  	_ =	shalt  }
0x48: {  	_ =	shalt  }
0x49: {  	_ =	shalt  }
0x4a: {  	_ =	shalt  }
0x4b: {  	_ =	shalt  }
0x4c: {  	_ =	shalt  }
0x4d: {  	_ =	shalt  }
0x4e: {  	_ =	shalt  }
0x4f: {  	_ =	shalt  }
0x50: {  	_ =	shalt  }
0x51: {  	_ =	shalt  }
0x52: {  	_ =	shalt  }
0x53: {  	_ =	shalt  }
0x54: {  	_ =	shalt  }
0x55: {  	_ =	shalt  }
0x56: {  	_ =	shalt  }
0x57: {  	_ =	shalt  }
0x58: {  	_ =	shalt  }
0x59: {  	_ =	shalt  }
0x5a: {  	_ =	shalt  }
0x5b: {  	_ =	shalt  }
0x5c: {  	_ =	shalt  }
0x5d: {  	_ =	shalt  }
0x5e: {  	_ =	shalt  }
0x5f: {  	_ =	shalt  }
0x60: {  	_ =	shalt  }
0x61: {  	_ =	shalt  }
0x62: {  	_ =	shalt  }
0x63: {  	_ =	shalt  }
0x64: {  	_ =	shalt  }
0x65: {  	_ =	shalt  }
0x66: {  	_ =	shalt  }
0x67: {  	_ =	shalt  }
0x68: {  	_ =	shalt  }
0x69: {  	_ =	shalt  }
0x6a: {  	_ =	shalt  }
0x6b: {  	_ =	shalt  }
0x6c: {  	_ =	shalt  }
0x6d: {  	_ =	shalt  }
0x6e: {  	_ =	shalt  }
0x6f: {  	_ =	shalt  }
0x70: {  	_ =	shalt  }
0x71: {  	_ =	shalt  }
0x72: {  	_ =	shalt  }
0x73: {  	_ =	shalt  }
0x74: {  	_ =	shalt  }
0x75: {  	_ =	shalt  }
0x76: {  	_ =	shalt  }
0x77: {  	_ =	shalt  }
0x78: {  	_ =	shalt  }
0x79: {  	_ =	shalt  }
0x7a: {  	_ =	shalt  }
0x7b: {  	_ =	shalt  }
0x7c: {  	_ =	shalt  }
0x7d: {  	_ =	shalt  }
0x7e: {  	_ =	shalt  }
0x7f: {  	_ =	shalt  }
0x80: {  	_ =	shalt  }
0x81: {  	_ =	shalt  }
0x82: {  	_ =	shalt  }
0x83: {  	_ =	shalt  }
0x84: {  	_ =	shalt  }
0x85: {  	_ =	shalt  }
0x86: {  	_ =	shalt  }
0x87: {  	_ =	shalt  }
.Lfunc_end0:
.L_simem_size_0:
called_computation_lowered:
.L_overlay_start_0:
0x88: {  	s2 =	sld [smem:$0x3FD9]  }
0x89: {  	s3 =	sld [smem:$0x3FFE];
	_ =	sdelay $0x1  }
0x8a: {  	s1 =	srdreg.scid  }
0x8b: {  	s0 =	sand.u32 $0x1, s1  }
0x8c: {  	s17 =	sshll.u32 s0, $0xA;
	s2 =	sadd.s32 s3, s2  }
0x8d: {  	s2 =	sadd.s32 s2, s17  }
0x8e: {  	[smem:$0x3FC4] =	sst s2  }
0x8f: {  	_ = 	snop  }
0x90: {  	s2 =	sld [smem:$0x3FD0];
	(tm) =	ssettm $0x1  }
0x91: {  	s18 =	sld [smem:$0x3FFB];
	_ =	sdelay $0x3  }
0x92: {  	_ =	strace s18  }
0x93: {  	s3 =	sld [smem:$0x3FFC];
	_ =	sdelay $0x3  }
0x94: {  	_ =	strace s3  }
0x95: {  	s3 =	sld [smem:$0x3FFD];
	_ =	sdelay $0x3  }
0x96: {  	_ =	strace s3  }
0x97: {  	_ =	strace $0x8FFFFFFF  }
0x98: {  	s19 =	sld [smem:$0x3FDB];
	_ =	sdelay $0x1  }
0x99: {  	s4 =	simm.s32 $_scs_section_size  }
0x9a: {  	s5 =	simm.s32 $_size__tile_overlayer_lowered;
	s6 =	simm.s32 $_tile_overlayer_lowered  }
0x9b: {  	s22 =	simm.s32 $0x1BFF;
	s21 =	sshll.u32 s6, $0x1;
	s3 =	sadd.s32 s4, s19  }
0x9c: {  	s7 =	simm.s32 $0x0;
	s20 =	sshll.u32 s5, $0x1;
	s5 =	sadd.s32 s21, s3  }
0x9d: {  	[timem:s7], [sflag:s22] =	dma.local [hbm:s5], s20  }
0x9e: {  	_ =	swait.ge [sflag:s22], s20  }
0x9f: {  	s4 =	ssub.s32 $0x0, s20;
	[sflag:s22] =	ssyncset.done $0x0  }
0xa0: {  	[sflag:s22] =	ssyncadd.s32 s4;
	_ =	sdelay $0x1  }
0xa1: {  	s23 =	simm.s32 $0x1B8B  }
0xa2: {  	_ =	swait.ge [sflag:s23], $0x1  }
0xa3: {  	[sflag:s23] =	ssyncset.done $0x0  }
0xa4: {  	s25 =	simm.s32 $0x1B8E;
	s24 =	sld [smem:$0x3FFE];
	[sflag:s23] =	ssyncadd.s32 $0xFFFFFFFF  }
0xa5: {  	s26 =	simm.s32 $execute0_lowered;
	[smem:$0x3FD2] =	sst s25  }
0xa6: {  	s5 =	sshll.u32 s26, $0x1;
	_ =	strace $0x80000046;
	[dreg:$0x1] =	wrdreg $0xFFFFFFFF  }
0xa7: {  	s28 =	simm.s32 $_size_execute0_lowered;
	s3 =	sadd.s32 s3, s5;
	[dreg:$0x0] =	wrdreg $0x0  }
0xa8: {  	s5 =	sshll.u32 s28, $0x1;
	[dreg:$0x2] =	wrdreg s3  }
0xa9: {  	[dreg:$0x3] =	wrdreg s5  }
0xaa: {  	[dreg:$0x4] =	wrdreg $0xC0  }
0xab: {  	_ =	task [dreg:s7], $0x5FFFF  }
0xac: {  	[dreg:$0x1] =	wrdreg $0xFFFFFFFF  }
0xad: {  	[dreg:$0x0] =	wrdreg $0x60  }
0xae: {  	[dreg:$0x2] =	wrdreg s24  }
0xaf: {  	[dreg:$0x3] =	wrdreg s2  }
0xb0: {  	[dreg:$0x4] =	wrdreg $0x9  }
0xb1: {  	_ =	task.clear_ibuf [dreg:s7], $0x5FFFF;
	_ =	strace $0x90000046  }
0xb2: {  	s29 =	simm.s32 $0x9;
	_ =	strace $0x80000048  }
0xb3: {  	_ =	swait.ge [sflag:s29], $0x1  }
0xb4: {  	[sflag:s29] =	ssyncadd.s32 $0xFFFFFFFF  }
0xb5: {  	_ =	strace $0x90000048  }
0xb6: {  	_ =	sfence  }
0xb7: {  	s30 =	sld [smem:$0x0];
	_ =	sdelay $0x2  }
0xb8: {  	s31 =	sshll.u32 s1, $0xD;
	s1 =	sshrl.u32 s1, $0x2  }
0xb9: {  	s3 =	sand.u32 $0x4000, s31;
	s1 =	sadd.s32 s1, s30  }
0xba: {  	s0 =	sor.u32 s3, s0;
	s1 =	sshll.u32 s1, $0x11  }
0xbb: {  	s0 =	sor.u32 s1, s0  }
0xbc: {  	s0 =	sadd.s32 $0x8F2B, s0  }
0xbd: {  	[sflag:s0] =	ssyncadd.remote.s32 $0x1  }
0xbe: {  	_ =	sfence.sel $0xFFFF  }
0xbf: {  	[dreg:$0x0] =	wrdreg $0xFFFFFFFF;
	(pc) =	sbr.abs _section_cstart, $3  }
0xc0: {  	[dreg:$0x1] =	wrdreg $0xFFFFFFFF  }
0xc1: {  	_ =	task.clear_ibuf [dreg:s7], $0x2FFFF;
	_ =	strace $0x9FFFFFFF  }
0xc2: {  	(tm) =	ssettm $0x7FFFFFFF  }
0xc3: {  	_ =	shalt  }
tec
execute0_lowered:
.L_overlay_start_1:
0x0: {  	(tag) =	ssettag $0x1  }
0x1: {  	s0 =	srdreg.scid;
	s3 =	rddreg [dreg:$0x0]  }
0x2: {  	s8 =	stileid.u32;
	s5 =	rddreg [dreg:$0x1];
	s2 =	simm.s32 $0x0  }
0x3: {  	s26 =	simm.s32 $0x1A00;
	s28 =	simm.s32 $0x100;
	[smem:$0x7FF] =	sst s2  }
0x4: {  	s30 =	simm.s32 $0x2A00;
	_ =	strace $0x80000047;
	[dreg:$0x5] =	wrdreg s26  }
0x5: {  	s9 =	simm.s32 $0x3A00;
	s11 =	simm.s32 $0x200;
	[dreg:$0x6] =	wrdreg s28  }
0x6: {  	s13 =	simm.s32 $0x4A00;
	s14 =	simm.s32 $0x280;
	[dreg:$0x7] =	wrdreg s30  }
0x7: {  	s16 =	simm.s32 $0x5A00;
	s17 =	simm.s32 $0x300;
	[dreg:$0x9] =	wrdreg s9  }
0x8: {  	s18 =	simm.s32 $0x6A00;
	s19 =	simm.s32 $0x380;
	[dreg:$0xa] =	wrdreg s11  }
0x9: {  	s21 =	simm.s32 $0x7A00;
	s1 =	smul.u32 $0x190, s8;
	[dreg:$0xb] =	wrdreg s13  }
0xa: {  	s22 =	simm.s32 $0x400;
	s6 =	smul.u32 $0x1900, s8;
	[dreg:$0xc] =	wrdreg s14  }
0xb: {  	s23 =	simm.s32 $0x8A00;
	s10 =	smul.u32 $0xC800, s8;
	[dreg:$0xd] =	wrdreg s16  }
0xc: {  	s0 =	sand.u32 $0x1, s0;
	s20 =	smul.u32 $0x32000, s8;
	[dreg:$0xe] =	wrdreg s17  }
0xd: {  	s24 =	sadd.s32 $0x400, s3;
	s4 =	smul.u32 $0xC8, s0;
	[dreg:$0xf] =	wrdreg s18  }
0xe: {  	s3 =	sadd.s32 $0x19400, s3;
	s7 =	smul.u32 $0xC80, s0;
	[dreg:$0x10] =	wrdreg s19  }
0xf: {  	s8 =	simm.s32 $0x80;
	s12 =	smul.u32 $0x6400, s0;
	[dreg:$0x11] =	wrdreg s21  }
0x10: {  	s29 =	ssub.s32 $0x2, s0;
	s0 =	smul.u32 $0x19000, s0;
	[dreg:$0x12] =	wrdreg s22  }
0x11: {  	[dreg:$0x13] =	wrdreg s23;
	s26 =	simm.s32 $0x580;
	s9 =	simm.s32 $0xA00  }
0x12: {  	s28 =	simm.s32 $0xBA00;
	s11 =	simm.s32 $0x500;
	s30 =	simm.s32 $0xCA00  }
0x13: {  	s13 =	simm.s32 $0x700;
	s14 =	simm.s32 $0xEA00;
	s16 =	simm.s32 $0xFA00  }
0x14: {  	s17 =	simm.s32 $0x800;
	s18 =	simm.s32 $0x10A00;
	[dreg:$0x16] =	wrdreg s26  }
0x15: {  	s21 =	simm.s32 $0x11A00;
	s22 =	simm.s32 $0x900;
	[dreg:$0x17] =	wrdreg s28  }
0x16: {  	s23 =	simm.s32 $0x12A00;
	s31 =	sshrl.u32 s29, $0x1;
	[dreg:$0x19] =	wrdreg s30  }
0x17: {  	s26 =	simm.s32 $0x2;
	s1 =	sadd.s32 s4, s1;
	s4 =	sadd.s32 s6, s24  }
0x18: {  	s15 =	sadd.s32 s12, s10;
	s10 =	simm.s32 $0x1;
	s25 =	sadd.s32 s7, s4  }
0x19: {  	s12 =	simm.s32 $0xAA00;
	s7 =	simm.s32 $0x180;
	[dreg:$0x4] =	wrdreg s25  }
0x1a: {  	s4 =	ssub.s32 s29, s31;
	s29 =	simm.s32 $0x600;
	[dreg:$0x8] =	wrdreg s7  }
0x1b: {  	s6 =	simm.s32 $0xDA00;
	s31 =	simm.s32 $0x680;
	[dreg:$0x18] =	wrdreg s29  }
0x1c: {  	s1 =	sshll.u32 s1, $0x4;
	s4 =	smax.u32 s4, $0x1;
	[dreg:$0x1a] =	wrdreg s31  }
0x1d: {  	s1 =	sadd.s32 s24, s1;
	s24 =	simm.s32 $0x480;
	[dreg:$0x1b] =	wrdreg s4  }
0x1e: {  	s7 =	simm.s32 $0x5;
	s25 =	simm.s32 $0x9A00;
	[dreg:$0x14] =	wrdreg s24  }
0x1f: {  	s1 =	sadd.s32 $0xA0, s1;
	s4 =	sshll.u32 s15, $0x2;
	[dreg:$0x15] =	wrdreg s25  }
0x20: {  	s15 =	simm.s32 $0x780;
	s24 =	simm.s32 $0x980;
	s4 =	sadd.s32 s5, s4  }
0x21: {  	[dreg:$0x3] =	wrdreg s1;
	s5 =	sadd.s32 s20, s5;
	s4 =	sadd.s32 $0x1400, s4  }
0x22: {  	s25 =	simm.s32 $0x13A00;
	s0 =	sadd.s32 s0, s5;
	[dreg:$0x1c] =	wrdreg s4  }
0x23: {  	s20 =	simm.s32 $0x880;
	[dreg:$0x1d] =	wrdreg s0;
	s4 =	simm.s32 $0x0  }
.LBB2_1:
0x24: {  	p0 =	por $0x1, $0x1  }
0x25: {  	[dreg:$0x1e] =	wrdreg s4;
	s0 =	simm.s32 @!p0 $0x3  }
0x26: {  	_ =	swait.ge @!p0 [sflag:s0], $0xA000  }
0x27: {  	s1 =	rddreg [dreg:$0x4];
	[sflag:s0] =	ssyncset.done @!p0 $0x0  }
0x28: {  	[sflag:s0] =	ssyncadd.s32 @!p0 $0xFFFF6000;
	s5 =	sadd.s32 $0x0, s1  }
0x29: {  	[tilespmem:s2], [sflag:$0x5] =	stream.linear.gather [hbm4b:s5+s2], $0x500, $0x38;
	[tilespmem:$0x14A00] =	vst v63  }
0x2a: {  	_ =	swait.ge [sflag:s7], $0x500  }
0x2b: {  	s0 =	rddreg [dreg:$0x8]  }
0x2c: {  	s19 =	rddreg [dreg:$0x6]  }
0x2d: {  	s5 =	rddreg [dreg:$0x5]  }
0x2e: {  	[sflag:s7] =	ssyncset.done $0x0;
	s28 =	rddreg [dreg:$0x7]  }
0x2f: {  	s29 =	rddreg [dreg:$0x9];
	[sflag:s7] =	ssyncadd.s32 $0xFFFFFB00  }
0x30: {  	[tilespmem:s9], [sflag:$0x1] =	stream.indirect.gather [hbm4b:s3+s8], $0x20, s2, s8, $0xb8;
	[tilespmem:$0x14A00] =	vst v63  }
0x31: {  	s30 =	rddreg [dreg:$0xa]  }
0x32: {  	[tilespmem:s5], [sflag:$0x1] =	stream.indirect.gather [hbm4b:s3+s8], $0x20, s8, s8, $0xb8;
	[tilespmem:$0x14A00] =	vst v63  }
0x33: {  	s4 =	rddreg [dreg:$0xb]  }
0x34: {  	[tilespmem:s28], [sflag:$0x1] =	stream.indirect.gather [hbm4b:s3+s8], $0x20, s19, s8, $0xb8;
	[tilespmem:$0x14A00] =	vst v63  }
0x35: {  	s19 =	rddreg [dreg:$0xd]  }
0x36: {  	[tilespmem:s29], [sflag:$0x1] =	stream.indirect.gather [hbm4b:s3+s8], $0x20, s0, s8, $0xb8;
	[tilespmem:$0x14A00] =	vst v63  }
0x37: {  	s29 =	rddreg [dreg:$0xc]  }
0x38: {  	[tilespmem:s4], [sflag:$0x1] =	stream.indirect.gather [hbm4b:s3+s8], $0x20, s30, s8, $0xb8;
	[tilespmem:$0x14A00] =	vst v63  }
0x39: {  	s30 =	rddreg [dreg:$0xf]  }
0x3a: {  	s4 =	rddreg [dreg:$0xe]  }
0x3b: {  	[tilespmem:s19], [sflag:$0x1] =	stream.indirect.gather [hbm4b:s3+s8], $0x20, s29, s8, $0xb8;
	[tilespmem:$0x14A00] =	vst v63  }
0x3c: {  	s19 =	rddreg [dreg:$0x11]  }
0x3d: {  	s29 =	rddreg [dreg:$0x10]  }
0x3e: {  	[tilespmem:s30], [sflag:$0x1] =	stream.indirect.gather [hbm4b:s3+s8], $0x20, s4, s8, $0xb8;
	[tilespmem:$0x14A00] =	vst v63  }
0x3f: {  	s30 =	rddreg [dreg:$0x12]  }
0x40: {  	s4 =	rddreg [dreg:$0x13]  }
0x41: {  	[tilespmem:s19], [sflag:$0x1] =	stream.indirect.gather [hbm4b:s3+s8], $0x20, s29, s8, $0xb8;
	[tilespmem:$0x14A00] =	vst v63  }
0x42: {  	s19 =	rddreg [dreg:$0x15]  }
0x43: {  	[tilespmem:s4], [sflag:$0x1] =	stream.indirect.gather [hbm4b:s3+s8], $0x20, s30, s8, $0xb8;
	[tilespmem:$0x14A00] =	vst v63  }
0x44: {  	s29 =	rddreg [dreg:$0x14]  }
0x45: {  	[tilespmem:s19], [sflag:$0x1] =	stream.indirect.gather [hbm4b:s3+s8], $0x20, s29, s8, $0xb8;
	[tilespmem:$0x14A00] =	vst v63  }
0x46: {  	_ =	swait.ge [sflag:s10], $0x1000  }
0x47: {  	[sflag:s10] =	ssyncset.done $0x0  }
0x48: {  	[sflag:s10] =	ssyncadd.s32 $0xFFFFF000  }
0x49: {  	_ =	swait.ge [sflag:s10], $0x1000  }
0x4a: {  	[sflag:s10] =	ssyncset.done $0x0  }
0x4b: {  	[sflag:s10] =	ssyncadd.s32 $0xFFFFF000  }
0x4c: {  	_ =	swait.ge [sflag:s10], $0x1000  }
0x4d: {  	[sflag:s10] =	ssyncset.done $0x0  }
0x4e: {  	[sflag:s10] =	ssyncadd.s32 $0xFFFFF000  }
0x4f: {  	_ =	swait.ge [sflag:s10], $0x1000  }
0x50: {  	[sflag:s10] =	ssyncset.done $0x0  }
0x51: {  	[sflag:s10] =	ssyncadd.s32 $0xFFFFF000  }
0x52: {  	_ =	swait.ge [sflag:s10], $0x1000  }
0x53: {  	[sflag:s10] =	ssyncset.done $0x0  }
0x54: {  	[sflag:s10] =	ssyncadd.s32 $0xFFFFF000  }
0x55: {  	_ =	swait.ge [sflag:s10], $0x1000  }
0x56: {  	[sflag:s10] =	ssyncset.done $0x0  }
0x57: {  	[sflag:s10] =	ssyncadd.s32 $0xFFFFF000  }
0x58: {  	_ =	swait.ge [sflag:s10], $0x1000  }
0x59: {  	[sflag:s10] =	ssyncset.done $0x0  }
0x5a: {  	[sflag:s10] =	ssyncadd.s32 $0xFFFFF000  }
0x5b: {  	_ =	swait.ge [sflag:s10], $0x1000  }
0x5c: {  	[sflag:s10] =	ssyncset.done $0x0  }
0x5d: {  	[sflag:s10] =	ssyncadd.s32 $0xFFFFF000  }
0x5e: {  	_ =	swait.ge [sflag:s10], $0x1000  }
0x5f: {  	[sflag:s10] =	ssyncset.done $0x0  }
0x60: {  	[sflag:s10] =	ssyncadd.s32 $0xFFFFF000  }
0x61: {  	_ =	swait.ge [sflag:s10], $0x1000  }
0x62: {  	[sflag:s10] =	ssyncset.done $0x0  }
0x63: {  	s0 =	simm.s32 @!p0 $0x4;
	s4 =	rddreg [dreg:$0x1d];
	[sflag:s10] =	ssyncadd.s32 $0xFFFFF000  }
0x64: {  	[hbm4b:s4+s2] =	stream.linear.scatter [tilespmem:s9], [sflag:$0x3], $0xA000, $0x38;
	[tilespmem:$0x14A00] =	vst v63  }
0x65: {  	_ =	swait.ge @!p0 [sflag:s0], $0xA000  }
0x66: {  	s30 =	rddreg [dreg:$0x3];
	[sflag:s0] =	ssyncset.done @!p0 $0x0  }
0x67: {  	[sflag:s0] =	ssyncadd.s32 @!p0 $0xFFFF6000;
	s1 =	sadd.s32 $0x0, s30  }
0x68: {  	[tilespmem:s11], [sflag:$0x5] =	stream.linear.gather [hbm4b:s1+s2], $0x500, $0x38;
	[tilespmem:$0x14A00] =	vst v63  }
0x69: {  	_ =	swait.ge [sflag:s7], $0x500  }
0x6a: {  	s5 =	rddreg [dreg:$0x16];
	[sflag:s7] =	ssyncset.done $0x0  }
0x6b: {  	s1 =	rddreg [dreg:$0x19];
	[sflag:s7] =	ssyncadd.s32 $0xFFFFFB00  }
0x6c: {  	[tilespmem:s12], [sflag:$0x2] =	stream.indirect.gather [hbm4b:s3+s8], $0x20, s11, s8, $0xb8;
	[tilespmem:$0x14A00] =	vst v63  }
0x6d: {  	s19 =	rddreg [dreg:$0x17]  }
0x6e: {  	[tilespmem:s19], [sflag:$0x2] =	stream.indirect.gather [hbm4b:s3+s8], $0x20, s5, s8, $0xb8;
	[tilespmem:$0x14A00] =	vst v63  }
0x6f: {  	s29 =	rddreg [dreg:$0x18]  }
0x70: {  	[tilespmem:s1], [sflag:$0x2] =	stream.indirect.gather [hbm4b:s3+s8], $0x20, s29, s8, $0xb8;
	[tilespmem:$0x14A00] =	vst v63  }
0x71: {  	s30 =	rddreg [dreg:$0x1a]  }
0x72: {  	[tilespmem:s6], [sflag:$0x2] =	stream.indirect.gather [hbm4b:s3+s8], $0x20, s30, s8, $0xb8;
	[tilespmem:$0x14A00] =	vst v63  }
0x73: {  	_ = 	snop  }
0x74: {  	[tilespmem:s14], [sflag:$0x2] =	stream.indirect.gather [hbm4b:s3+s8], $0x20, s13, s8, $0xb8;
	[tilespmem:$0x14A00] =	vst v63  }
0x75: {  	_ = 	snop  }
0x76: {  	[tilespmem:s16], [sflag:$0x2] =	stream.indirect.gather [hbm4b:s3+s8], $0x20, s15, s8, $0xb8;
	[tilespmem:$0x14A00] =	vst v63  }
0x77: {  	_ = 	snop  }
0x78: {  	[tilespmem:s18], [sflag:$0x2] =	stream.indirect.gather [hbm4b:s3+s8], $0x20, s17, s8, $0xb8;
	[tilespmem:$0x14A00] =	vst v63  }
0x79: {  	_ = 	snop  }
0x7a: {  	[tilespmem:s21], [sflag:$0x2] =	stream.indirect.gather [hbm4b:s3+s8], $0x20, s20, s8, $0xb8;
	[tilespmem:$0x14A00] =	vst v63  }
0x7b: {  	_ = 	snop  }
0x7c: {  	[tilespmem:s23], [sflag:$0x2] =	stream.indirect.gather [hbm4b:s3+s8], $0x20, s22, s8, $0xb8;
	[tilespmem:$0x14A00] =	vst v63  }
0x7d: {  	_ = 	snop  }
0x7e: {  	[tilespmem:s25], [sflag:$0x2] =	stream.indirect.gather [hbm4b:s3+s8], $0x20, s24, s8, $0xb8;
	[tilespmem:$0x14A00] =	vst v63  }
0x7f: {  	_ =	swait.ge [sflag:s26], $0x1000  }
0x80: {  	[sflag:s26] =	ssyncset.done $0x0  }
0x81: {  	[sflag:s26] =	ssyncadd.s32 $0xFFFFF000  }
0x82: {  	_ =	swait.ge [sflag:s26], $0x1000  }
0x83: {  	[sflag:s26] =	ssyncset.done $0x0  }
0x84: {  	[sflag:s26] =	ssyncadd.s32 $0xFFFFF000  }
0x85: {  	_ =	swait.ge [sflag:s26], $0x1000  }
0x86: {  	[sflag:s26] =	ssyncset.done $0x0  }
0x87: {  	[sflag:s26] =	ssyncadd.s32 $0xFFFFF000  }
0x88: {  	_ =	swait.ge [sflag:s26], $0x1000  }
0x89: {  	[sflag:s26] =	ssyncset.done $0x0  }
0x8a: {  	[sflag:s26] =	ssyncadd.s32 $0xFFFFF000  }
0x8b: {  	_ =	swait.ge [sflag:s26], $0x1000  }
0x8c: {  	[sflag:s26] =	ssyncset.done $0x0  }
0x8d: {  	[sflag:s26] =	ssyncadd.s32 $0xFFFFF000  }
0x8e: {  	_ =	swait.ge [sflag:s26], $0x1000  }
0x8f: {  	[sflag:s26] =	ssyncset.done $0x0  }
0x90: {  	[sflag:s26] =	ssyncadd.s32 $0xFFFFF000  }
0x91: {  	_ =	swait.ge [sflag:s26], $0x1000  }
0x92: {  	s0 =	sadd.s32 $0x2800, s4;
	s31 =	rddreg [dreg:$0x1c]  }
0x93: {  	s1 =	simm.s32 $0x140;
	[sflag:s26] =	ssyncset.done $0x0;
	s5 =	smov.u32 s31  }
.LBB2_2:
0x94: {  	[sflag:s26] =	ssyncadd.s32 $0xFFFFF000  }
0x95: {  	_ =	swait.ge [sflag:s26], $0x1000  }
0x96: {  	[sflag:s26] =	ssyncset.done $0x0  }
0x97: {  	[sflag:s26] =	ssyncadd.s32 $0xFFFFF000  }
0x98: {  	_ =	swait.ge [sflag:s26], $0x1000  }
0x99: {  	[sflag:s26] =	ssyncset.done $0x0  }
0x9a: {  	[sflag:s26] =	ssyncadd.s32 $0xFFFFF000  }
0x9b: {  	s28 =	smov.u32 s1;
	_ =	swait.ge [sflag:s26], $0x1000  }
0x9c: {  	p1 =	seq.s32 s28, $0x0;
	[sflag:s26] =	ssyncset.done $0x0  }
0x9d: {  	s29 =	simm.s32 @!p1 $0x3;
	[sflag:s26] =	ssyncadd.s32 $0xFFFFF000  }
0x9e: {  	[hbm4b:s31+s2] =	stream.linear.scatter [tilespmem:s12], [sflag:$0x4], $0xA000, $0x38;
	[tilespmem:$0x14A00] =	vst v63  }
0x9f: {  	_ =	swait.ge @!p1 [sflag:s29], $0xA000  }
0xa0: {  	[sflag:s29] =	ssyncset.done @!p1 $0x0;
	s4 =	rddreg [dreg:$0x4]  }
0xa1: {  	[sflag:s29] =	ssyncadd.s32 @!p1 $0xFFFF6000;
	s4 =	sadd.s32 s28, s4  }
0xa2: {  	[tilespmem:s2], [sflag:$0x5] =	stream.linear.gather [hbm4b:s4+s2], $0x500, $0x38;
	[tilespmem:$0x14A00] =	vst v63  }
0xa3: {  	_ =	swait.ge [sflag:s7], $0x500  }
0xa4: {  	s4 =	rddreg [dreg:$0x8]  }
0xa5: {  	s29 =	rddreg [dreg:$0x15]  }
0xa6: {  	s6 =	rddreg [dreg:$0xa]  }
0xa7: {  	s30 =	rddreg [dreg:$0xf]  }
0xa8: {  	s13 =	rddreg [dreg:$0xb]  }
0xa9: {  	s14 =	rddreg [dreg:$0x6]  }
0xaa: {  	[sflag:s7] =	ssyncset.done $0x0;
	s15 =	rddreg [dreg:$0x5]  }
0xab: {  	s16 =	rddreg [dreg:$0x9];
	[sflag:s7] =	ssyncadd.s32 $0xFFFFFB00  }
0xac: {  	[tilespmem:s9], [sflag:$0x1] =	stream.indirect.gather [hbm4b:s3+s8], $0x20, s2, s8, $0xb8;
	[tilespmem:$0x14A00] =	vst v63  }
0xad: {  	s17 =	rddreg [dreg:$0x7]  }
0xae: {  	[tilespmem:s15], [sflag:$0x1] =	stream.indirect.gather [hbm4b:s3+s8], $0x20, s8, s8, $0xb8;
	[tilespmem:$0x14A00] =	vst v63  }
0xaf: {  	s18 =	rddreg [dreg:$0xd]  }
0xb0: {  	[tilespmem:s17], [sflag:$0x1] =	stream.indirect.gather [hbm4b:s3+s8], $0x20, s14, s8, $0xb8;
	[tilespmem:$0x14A00] =	vst v63  }
0xb1: {  	s19 =	rddreg [dreg:$0xc]  }
0xb2: {  	[tilespmem:s16], [sflag:$0x1] =	stream.indirect.gather [hbm4b:s3+s8], $0x20, s4, s8, $0xb8;
	[tilespmem:$0x14A00] =	vst v63  }
0xb3: {  	s15 =	rddreg [dreg:$0xe]  }
0xb4: {  	[tilespmem:s13], [sflag:$0x1] =	stream.indirect.gather [hbm4b:s3+s8], $0x20, s6, s8, $0xb8;
	[tilespmem:$0x14A00] =	vst v63  }
0xb5: {  	s14 =	rddreg [dreg:$0x11]  }
0xb6: {  	[tilespmem:s18], [sflag:$0x1] =	stream.indirect.gather [hbm4b:s3+s8], $0x20, s19, s8, $0xb8;
	[tilespmem:$0x14A00] =	vst v63  }
0xb7: {  	s4 =	rddreg [dreg:$0x10]  }
0xb8: {  	[tilespmem:s30], [sflag:$0x1] =	stream.indirect.gather [hbm4b:s3+s8], $0x20, s15, s8, $0xb8;
	[tilespmem:$0x14A00] =	vst v63  }
0xb9: {  	s6 =	rddreg [dreg:$0x12]  }
0xba: {  	[tilespmem:s14], [sflag:$0x1] =	stream.indirect.gather [hbm4b:s3+s8], $0x20, s4, s8, $0xb8;
	[tilespmem:$0x14A00] =	vst v63  }
0xbb: {  	s13 =	rddreg [dreg:$0x13]  }
0xbc: {  	[tilespmem:s13], [sflag:$0x1] =	stream.indirect.gather [hbm4b:s3+s8], $0x20, s6, s8, $0xb8;
	[tilespmem:$0x14A00] =	vst v63  }
0xbd: {  	s19 =	rddreg [dreg:$0x14]  }
0xbe: {  	[tilespmem:s29], [sflag:$0x1] =	stream.indirect.gather [hbm4b:s3+s8], $0x20, s19, s8, $0xb8;
	[tilespmem:$0x14A00] =	vst v63  }
0xbf: {  	_ =	swait.ge [sflag:s10], $0x1000  }
0xc0: {  	[sflag:s10] =	ssyncset.done $0x0  }
0xc1: {  	[sflag:s10] =	ssyncadd.s32 $0xFFFFF000  }
0xc2: {  	_ =	swait.ge [sflag:s10], $0x1000  }
0xc3: {  	[sflag:s10] =	ssyncset.done $0x0  }
0xc4: {  	[sflag:s10] =	ssyncadd.s32 $0xFFFFF000  }
0xc5: {  	_ =	swait.ge [sflag:s10], $0x1000  }
0xc6: {  	[sflag:s10] =	ssyncset.done $0x0  }
0xc7: {  	[sflag:s10] =	ssyncadd.s32 $0xFFFFF000  }
0xc8: {  	_ =	swait.ge [sflag:s10], $0x1000  }
0xc9: {  	[sflag:s10] =	ssyncset.done $0x0  }
0xca: {  	[sflag:s10] =	ssyncadd.s32 $0xFFFFF000  }
0xcb: {  	_ =	swait.ge [sflag:s10], $0x1000  }
0xcc: {  	[sflag:s10] =	ssyncset.done $0x0  }
0xcd: {  	[sflag:s10] =	ssyncadd.s32 $0xFFFFF000  }
0xce: {  	_ =	swait.ge [sflag:s10], $0x1000  }
0xcf: {  	[sflag:s10] =	ssyncset.done $0x0  }
0xd0: {  	[sflag:s10] =	ssyncadd.s32 $0xFFFFF000  }
0xd1: {  	_ =	swait.ge [sflag:s10], $0x1000  }
0xd2: {  	[sflag:s10] =	ssyncset.done $0x0  }
0xd3: {  	[sflag:s10] =	ssyncadd.s32 $0xFFFFF000  }
0xd4: {  	_ =	swait.ge [sflag:s10], $0x1000  }
0xd5: {  	[sflag:s10] =	ssyncset.done $0x0  }
0xd6: {  	[sflag:s10] =	ssyncadd.s32 $0xFFFFF000  }
0xd7: {  	_ =	swait.ge [sflag:s10], $0x1000  }
0xd8: {  	[sflag:s10] =	ssyncset.done $0x0  }
0xd9: {  	[sflag:s10] =	ssyncadd.s32 $0xFFFFF000  }
0xda: {  	_ =	swait.ge [sflag:s10], $0x1000  }
0xdb: {  	[sflag:s10] =	ssyncset.done $0x0  }
0xdc: {  	s4 =	simm.s32 @!p1 $0x4;
	[sflag:s10] =	ssyncadd.s32 $0xFFFFF000  }
0xdd: {  	[hbm4b:s0+s2] =	stream.linear.scatter [tilespmem:s9], [sflag:$0x3], $0xA000, $0x38;
	[tilespmem:$0x14A00] =	vst v63  }
0xde: {  	_ =	swait.ge @!p1 [sflag:s4], $0xA000  }
0xdf: {  	[sflag:s4] =	ssyncset.done @!p1 $0x0;
	s30 =	rddreg [dreg:$0x3]  }
0xe0: {  	[sflag:s4] =	ssyncadd.s32 @!p1 $0xFFFF6000;
	s13 =	sadd.s32 s28, s30  }
0xe1: {  	[tilespmem:s11], [sflag:$0x5] =	stream.linear.gather [hbm4b:s13+s2], $0x500, $0x38;
	[tilespmem:$0x14A00] =	vst v63  }
0xe2: {  	_ =	swait.ge [sflag:s7], $0x500  }
0xe3: {  	[sflag:s7] =	ssyncset.done $0x0;
	s14 =	rddreg [dreg:$0x16]  }
0xe4: {  	s19 =	rddreg [dreg:$0x19];
	[sflag:s7] =	ssyncadd.s32 $0xFFFFFB00  }
0xe5: {  	[tilespmem:s12], [sflag:$0x2] =	stream.indirect.gather [hbm4b:s3+s8], $0x20, s11, s8, $0xb8;
	[tilespmem:$0x14A00] =	vst v63  }
0xe6: {  	s28 =	rddreg [dreg:$0x17]  }
0xe7: {  	[tilespmem:s28], [sflag:$0x2] =	stream.indirect.gather [hbm4b:s3+s8], $0x20, s14, s8, $0xb8;
	[tilespmem:$0x14A00] =	vst v63  }
0xe8: {  	s29 =	rddreg [dreg:$0x18]  }
0xe9: {  	[tilespmem:s19], [sflag:$0x2] =	stream.indirect.gather [hbm4b:s3+s8], $0x20, s29, s8, $0xb8;
	[tilespmem:$0x14A00] =	vst v63  }
0xea: {  	s6 =	simm.s32 $0xDA00;
	s30 =	rddreg [dreg:$0x1a]  }
0xeb: {  	[tilespmem:s6], [sflag:$0x2] =	stream.indirect.gather [hbm4b:s3+s8], $0x20, s30, s8, $0xb8;
	[tilespmem:$0x14A00] =	vst v63  }
0xec: {  	s13 =	simm.s32 $0x700;
	s14 =	simm.s32 $0xEA00  }
0xed: {  	[tilespmem:s14], [sflag:$0x2] =	stream.indirect.gather [hbm4b:s3+s8], $0x20, s13, s8, $0xb8;
	[tilespmem:$0x14A00] =	vst v63  }
0xee: {  	s16 =	simm.s32 $0xFA00;
	s15 =	simm.s32 $0x780  }
0xef: {  	[tilespmem:s16], [sflag:$0x2] =	stream.indirect.gather [hbm4b:s3+s8], $0x20, s15, s8, $0xb8;
	[tilespmem:$0x14A00] =	vst v63  }
0xf0: {  	s17 =	simm.s32 $0x800;
	s18 =	simm.s32 $0x10A00  }
0xf1: {  	[tilespmem:s18], [sflag:$0x2] =	stream.indirect.gather [hbm4b:s3+s8], $0x20, s17, s8, $0xb8;
	[tilespmem:$0x14A00] =	vst v63  }
0xf2: {  	_ = 	snop  }
0xf3: {  	[tilespmem:s21], [sflag:$0x2] =	stream.indirect.gather [hbm4b:s3+s8], $0x20, s20, s8, $0xb8;
	[tilespmem:$0x14A00] =	vst v63  }
0xf4: {  	_ = 	snop  }
0xf5: {  	[tilespmem:s23], [sflag:$0x2] =	stream.indirect.gather [hbm4b:s3+s8], $0x20, s22, s8, $0xb8;
	[tilespmem:$0x14A00] =	vst v63  }
0xf6: {  	_ = 	snop  }
0xf7: {  	[tilespmem:s25], [sflag:$0x2] =	stream.indirect.gather [hbm4b:s3+s8], $0x20, s24, s8, $0xb8;
	[tilespmem:$0x14A00] =	vst v63  }
0xf8: {  	_ =	swait.ge [sflag:s26], $0x1000  }
0xf9: {  	[sflag:s26] =	ssyncset.done $0x0  }
0xfa: {  	[sflag:s26] =	ssyncadd.s32 $0xFFFFF000  }
0xfb: {  	_ =	swait.ge [sflag:s26], $0x1000  }
0xfc: {  	[sflag:s26] =	ssyncset.done $0x0  }
0xfd: {  	[sflag:s26] =	ssyncadd.s32 $0xFFFFF000  }
0xfe: {  	_ =	swait.ge [sflag:s26], $0x1000  }
0xff: {  	[sflag:s26] =	ssyncset.done $0x0  }
0x100: {  	[sflag:s26] =	ssyncadd.s32 $0xFFFFF000  }
0x101: {  	_ =	swait.ge [sflag:s26], $0x1000  }
0x102: {  	[sflag:s26] =	ssyncset.done $0x0  }
0x103: {  	[sflag:s26] =	ssyncadd.s32 $0xFFFFF000  }
0x104: {  	_ =	swait.ge [sflag:s26], $0x1000  }
0x105: {  	s1 =	sadd.s32 $0x140, s1;
	[sflag:s26] =	ssyncset.done $0x0  }
0x106: {  	p0 =	sne.s32 s1, $0xC80;
	[sflag:s26] =	ssyncadd.s32 $0xFFFFF000  }
.Ltmp0:
0x107: {  	_ =	swait.ge [sflag:s26], $0x1000;
	(pc) =	sbr.rel @p0 .LBB2_2-.Ltmp0, $4  }
0x108: {  	[sflag:s26] =	ssyncset.done $0x0  }
0x109: {  	[sflag:s26] =	ssyncadd.s32 $0xFFFFF000  }
0x10a: {  	s5 =	sadd.s32 $0x2800, s5;
	_ =	swait.ge [sflag:s26], $0x1000  }
0x10b: {  	s31 =	smov.u32 s5;
	s0 =	sadd.s32 $0x2800, s0;
	[sflag:s26] =	ssyncset.done $0x0  }
0x10c: {  	[sflag:s26] =	ssyncadd.s32 $0xFFFFF000  }
0x10d: {  	_ =	swait.ge [sflag:s26], $0x1000  }
0x10e: {  	[sflag:s26] =	ssyncset.done $0x0  }
0x10f: {  	[sflag:s26] =	ssyncadd.s32 $0xFFFFF000  }
0x110: {  	_ =	swait.ge [sflag:s26], $0x1000  }
0x111: {  	[sflag:s26] =	ssyncset.done $0x0  }
0x112: {  	[sflag:s26] =	ssyncadd.s32 $0xFFFFF000  }
0x113: {  	_ =	swait.ge [sflag:s26], $0x1000  }
0x114: {  	[sflag:s26] =	ssyncset.done $0x0  }
0x115: {  	s0 =	simm.s32 $0x3;
	[sflag:s26] =	ssyncadd.s32 $0xFFFFF000  }
0x116: {  	[hbm4b:s31+s2] =	stream.linear.scatter [tilespmem:s12], [sflag:$0x4], $0xA000, $0x38;
	[tilespmem:$0x14A00] =	vst v63  }
0x117: {  	_ =	swait.ge [sflag:s0], $0xA000  }
0x118: {  	[sflag:s0] =	ssyncset.done $0x0  }
0x119: {  	s1 =	simm.s32 $0x4;
	[sflag:s0] =	ssyncadd.s32 $0xFFFF6000  }
0x11a: {  	_ =	swait.ge [sflag:s1], $0xA000  }
0x11b: {  	s4 =	rddreg [dreg:$0x1e]  }
0x11c: {  	s31 =	rddreg [dreg:$0x1b];
	s4 =	sadd.s32 $0x1, s4  }
0x11d: {  	p0 =	sne.s32 s4, s31  }
.Ltmp1:
0x11e: {  	_ = 	snop;
	(pc) =	sbr.rel @p0 .LBB2_1-.Ltmp1, $3  }
0x11f: {  	_ =	sdelay $0x1  }
0x120: {  	[sflag:s1] =	ssyncset.done $0x0  }
0x121: {  	[sflag:s1] =	ssyncadd.s32 $0xFFFF6000  }
0x122: {  	_ =	sfence.sel $0x180000  }
0x123: {  	[bflag:$0x0] =	sbarrier.arrive $0xFFFF  }
0x124: {  	_ =	strace $0x90000047  }
0x125: {  	s0 =	stileid.u32;
	[bflag:$0x2] =	sbarrier.arrive $0xFFFF  }
0x126: {  	p0 =	sne.s32 s0, $0x0;
	s0 =	rddreg [dreg:$0x2]  }
0x127: {  	s0 =	sadd.s32 @!p0 $0x100000, s0  }
0x128: {  	[sflag:s0] =	ssyncadd.tile.s32 @!p0 $0x1;
	_ =	shalt  }
.Lfunc_end2:
_tile_overlayer_lowered:
.L_overlay_start_2:
0x129: {  	(tag) =	ssettag $0x2  }
0x12a: {  	s0 =	rddreg [dreg:$0x0];
	s2 =	stileid.u32  }
0x12b: {  	s1 =	rddreg [dreg:$0x1];
	p0 =	sne.s32 s2, $0x0  }
0x12c: {  	s3 =	rddreg [dreg:$0x2];
	[bflag:$0x3] =	sbarrier.arrive $0xFFFF;
	s2 =	simm.s32 @!p0 $0x1C05  }
0x12d: {  	[timem:s3], [sflag:s2] =	dma.local @!p0 [hbm:s0], s1  }
0x12e: {  	s0 =	simm.s32 @!p0 $0x5  }
0x12f: {  	_ =	swait.ge @!p0 [sflag:s0], s1  }
0x130: {  	s1 =	ssub.s32 @!p0 $0x0, s1;
	[sflag:s0] =	ssyncset.done @!p0 $0x0  }
0x131: {  	[sflag:s0] =	ssyncadd.s32 @!p0 s1  }
0x132: {  	[bflag:$0x3] =	sbarrier.arrive $0xFFFF  }
0x133: {  	_ =	shalt  }

</sc_bundles>
